<compile_context>
chip_gen: v7x
topology: tpu7x:2x2x1
jax: 0.10.2.dev20260603
libtpu: 0.0.44.dev20260713+nightly
codegen_flags: <defaults>
</compile_context>

<pallas_src>
import jax
import jax.numpy as jnp
from jax import lax
from jax.experimental import pallas as pl
from jax.experimental.pallas import tpu as pltpu
from jax.experimental.pallas import tpu_sc as plsc

B = 16384
F = 32
NC = 2
NS = 16
L = 16
NW = NC * NS
BPW = B // NW
CHUNK = 128
NCHUNK = BPW // CHUNK
GROUPS = BPW // L


def _gmfd_body(user, item, ue_t, ie_t, h_w, h_b, out_hbm,
               uidx, iidx, urt, irt, wv, bv, outv, sem):
    wid = lax.axis_index("s") * NC + lax.axis_index("c")
    base = wid * BPW

    cu = pltpu.async_copy(user.at[pl.ds(wid * NCHUNK, NCHUNK)], uidx, sem)
    ci = pltpu.async_copy(item.at[pl.ds(wid * NCHUNK, NCHUNK)], iidx, sem)
    pltpu.sync_copy(h_w, wv)
    pltpu.sync_copy(h_b, bv)
    cu.wait()
    ci.wait()

    def fire(f, _):
        for j in range(NCHUNK):
            pltpu.async_copy(ue_t.at[f].at[uidx.at[j]],
                             urt.at[f, pl.ds(j * CHUNK, CHUNK)], sem)
            pltpu.async_copy(ie_t.at[f].at[iidx.at[j]],
                             irt.at[f, pl.ds(j * CHUNK, CHUNK)], sem)
        return 0

    lax.fori_loop(0, F, fire, 0)

    pltpu.make_async_copy(ue_t.at[:, pl.ds(0, BPW)], urt, sem).wait()
    pltpu.make_async_copy(ie_t.at[:, pl.ds(0, BPW)], irt, sem).wait()

    w_lo = wv[pl.ds(0, L)]
    w_hi = wv[pl.ds(L, L)]
    bb = bv[...]

    def gbody(g, _):
        s0 = g * L
        acc = jnp.zeros((L,), jnp.float32)
        for f in range(F):
            wb = (w_lo if f < L else w_hi).at[
                jnp.full((L,), f % L, jnp.int32)].get(mode="promise_in_bounds")
            acc = acc + urt[f, pl.ds(s0, L)] * irt[f, pl.ds(s0, L)] * wb
        x = acc + bb
        outv[pl.ds(s0, L)] = 1.0 / (1.0 + jnp.exp(-x))
        return 0

    lax.fori_loop(0, GROUPS, gbody, 0)

    pltpu.sync_copy(outv, out_hbm.at[pl.ds(base, BPW)])


def kernel(user, item, user_emb, item_emb, h_w, h_b):
    ue_t = user_emb.T
    ie_t = item_emb.T
    w_flat = h_w.reshape(F)
    b_bcast = jnp.broadcast_to(h_b, (L,))
    k = pl.kernel(
        _gmfd_body,
        out_type=jax.ShapeDtypeStruct((B,), jnp.float32),
        mesh=plsc.VectorSubcoreMesh(core_axis_name="c", subcore_axis_name="s"),
        compiler_params=pltpu.CompilerParams(use_tc_tiling_on_sc=False),
        scratch_types=[
            pltpu.VMEM((NCHUNK, CHUNK), jnp.int32),
            pltpu.VMEM((NCHUNK, CHUNK), jnp.int32),
            pltpu.VMEM((F, BPW), jnp.float32),
            pltpu.VMEM((F, BPW), jnp.float32),
            pltpu.VMEM((F,), jnp.float32),
            pltpu.VMEM((L,), jnp.float32),
            pltpu.VMEM((BPW,), jnp.float32),
            pltpu.SemaphoreType.DMA,
        ],
    )
    user_r = user.astype(jnp.int32).reshape(NW * NCHUNK, CHUNK)
    item_r = item.astype(jnp.int32).reshape(NW * NCHUNK, CHUNK)
    return k(user_r, item_r, ue_t, ie_t, w_flat, b_bcast)

# --- scband reference (transcript-rebuilt; emitter-appended) ---
"""Pipeline reference for scband-gmfd-19619410608485 (READ-ONLY COPY).

The authoritative reference and input builder live on the scoring server;
editing this copy changes nothing except your own understanding.
"""

import jax, jax.numpy as jnp
import numpy as np

N_USERS = 1000000
N_ITEMS = 1000000
N_FACTORS = 32
BATCH = 16384


def setup_inputs(seed: int = 0) -> dict:
    key = jax.random.key(seed)
    k1, k2, k3, k4, k5, k6 = jax.random.split(key, 6)
    user = jax.random.randint(k1, (BATCH,), 0, N_USERS, dtype=jnp.int64) if jax.config.jax_enable_x64 else jax.random.randint(k1, (BATCH,), 0, N_USERS).astype(jnp.int32)
    item = jax.random.randint(k2, (BATCH,), 0, N_ITEMS).astype(user.dtype)
    user_emb = jax.random.normal(k3, (N_USERS, N_FACTORS), dtype=jnp.float32)
    item_emb = jax.random.normal(k4, (N_ITEMS, N_FACTORS), dtype=jnp.float32)
    bound = 1.0 / np.sqrt(N_FACTORS)
    h_w = jax.random.uniform(k5, (1, N_FACTORS), dtype=jnp.float32, minval=-bound, maxval=bound)
    h_b = jax.random.uniform(k6, (1,), dtype=jnp.float32, minval=-bound, maxval=bound)
    return {"user": user, "item": item, "user_emb": user_emb, "item_emb": item_emb, "h_w": h_w, "h_b": h_b}


def reference(user, item, user_emb, item_emb, h_w, h_b):
    # Embedding lookups (SparseCore gather)
    u = jnp.take(user_emb, user, axis=0)          # [B, F]
    i = jnp.take(item_emb, item, axis=0)          # [B, F]
    # Dropout is identity in eval mode (deterministic reference)
    dot = u * i                                    # [B, F]
    x = dot @ h_w.T + h_b                          # [B, 1]
    x = jnp.squeeze(x, axis=-1)                    # [B]
    return jax.nn.sigmoid(x)

if __name__ == "__main__":
    import jax
    _d = setup_inputs()
    print(jax.jit(kernel)(*tuple(_d.values())))

</pallas_src>

<mosaic_0001>
#map = affine_map<(d0, d1) -> (0, 0)>
#map1 = affine_map<(d0, d1) -> (0)>
module attributes {stable_mosaic.version = 14 : i64} {
  func.func @_gmfd_body(%arg0: i32, %arg1: i32, %arg2: memref<128x128xi32, #tpu.memory_space<hbm>>, %arg3: memref<128x128xi32, #tpu.memory_space<hbm>>, %arg4: memref<32x1000000xf32, #tpu.memory_space<hbm>>, %arg5: memref<32x1000000xf32, #tpu.memory_space<hbm>>, %arg6: memref<32xf32, #tpu.memory_space<hbm>>, %arg7: memref<16xf32, #tpu.memory_space<hbm>>, %arg8: memref<16384xf32, #tpu.memory_space<hbm>>, %arg9: memref<4x128xi32, #tpu.memory_space<vmem>>, %arg10: memref<4x128xi32, #tpu.memory_space<vmem>>, %arg11: memref<32x512xf32, #tpu.memory_space<vmem>>, %arg12: memref<32x512xf32, #tpu.memory_space<vmem>>, %arg13: memref<32xf32, #tpu.memory_space<vmem>>, %arg14: memref<16xf32, #tpu.memory_space<vmem>>, %arg15: memref<512xf32, #tpu.memory_space<vmem>>, %arg16: memref<!tpu.dma_semaphore, #tpu.memory_space<semaphore_mem>>) attributes {dimension_semantics = [#tpu.dimension_semantics<core_parallel>, #tpu.dimension_semantics<subcore_parallel>], iteration_bounds = array<i64: 2, 16>, scalar_prefetch = 0 : i64, scratch_operands = 8 : i64, tpu.core_type = #tpu.core_type<sc_vector_subcore>, window_params = [{transform_indices = #map}, {transform_indices = #map}, {transform_indices = #map}, {transform_indices = #map}, {transform_indices = #map1}, {transform_indices = #map1}, {transform_indices = #map1}]} {
    %mul3A = arith.constant 2 : i32
    %mul3A_0 = arith.muli %arg1, %mul3A : i32
    %add3A = arith.addi %mul3A_0, %arg0 : i32
    %mul3A_1 = arith.constant 512 : i32
    %mul3A_2 = arith.muli %add3A, %mul3A_1 : i32
    %mul3A_3 = arith.constant 4 : i32
    %mul3A_4 = arith.muli %add3A, %mul3A_3 : i32
    %dma_start3A = arith.constant 0 : i32
    %dma_start3A_5 = tpu.memref_slice %arg2[%mul3A_4, %dma_start3A] : memref<128x128xi32, #tpu.memory_space<hbm>> -> memref<4x128xi32, #tpu.memory_space<hbm>>
    %dma_start3A_6 = arith.constant 0 : i32
    %dma_start3A_7 = tpu.memref_slice %arg2[%mul3A_4, %dma_start3A_6] : memref<128x128xi32, #tpu.memory_space<hbm>> -> memref<4x128xi32, #tpu.memory_space<hbm>>
    tpu.enqueue_dma source(%dma_start3A_7 : memref<4x128xi32, #tpu.memory_space<hbm>>) target(%arg9 : memref<4x128xi32, #tpu.memory_space<vmem>>) target_semaphore(%arg16 : memref<!tpu.dma_semaphore, #tpu.memory_space<semaphore_mem>>)
    %mul3A_8 = arith.constant 4 : i32
    %mul3A_9 = arith.muli %add3A, %mul3A_8 : i32
    %dma_start3A_10 = arith.constant 0 : i32
    %dma_start3A_11 = tpu.memref_slice %arg3[%mul3A_9, %dma_start3A_10] : memref<128x128xi32, #tpu.memory_space<hbm>> -> memref<4x128xi32, #tpu.memory_space<hbm>>
    %dma_start3A_12 = arith.constant 0 : i32
    %dma_start3A_13 = tpu.memref_slice %arg3[%mul3A_9, %dma_start3A_12] : memref<128x128xi32, #tpu.memory_space<hbm>> -> memref<4x128xi32, #tpu.memory_space<hbm>>
    tpu.enqueue_dma source(%dma_start3A_13 : memref<4x128xi32, #tpu.memory_space<hbm>>) target(%arg10 : memref<4x128xi32, #tpu.memory_space<vmem>>) target_semaphore(%arg16 : memref<!tpu.dma_semaphore, #tpu.memory_space<semaphore_mem>>)
    "tpu.region"() ({
      %run_scoped3A = tpu.sem_alloc : memref<!tpu.dma_semaphore, #tpu.memory_space<semaphore_mem>>
      tpu.enqueue_dma source(%arg6 : memref<32xf32, #tpu.memory_space<hbm>>) target(%arg13 : memref<32xf32, #tpu.memory_space<vmem>>) target_semaphore(%run_scoped3A : memref<!tpu.dma_semaphore, #tpu.memory_space<semaphore_mem>>)
      tpu.wait_dma2 semaphore(%run_scoped3A : memref<!tpu.dma_semaphore, #tpu.memory_space<semaphore_mem>>) src(%arg6 : memref<32xf32, #tpu.memory_space<hbm>>) dst(%arg13 : memref<32xf32, #tpu.memory_space<vmem>>)
      tpu.yield
    }) : () -> ()
    "tpu.region"() ({
      %run_scoped3A = tpu.sem_alloc : memref<!tpu.dma_semaphore, #tpu.memory_space<semaphore_mem>>
      tpu.enqueue_dma source(%arg7 : memref<16xf32, #tpu.memory_space<hbm>>) target(%arg14 : memref<16xf32, #tpu.memory_space<vmem>>) target_semaphore(%run_scoped3A : memref<!tpu.dma_semaphore, #tpu.memory_space<semaphore_mem>>)
      tpu.wait_dma2 semaphore(%run_scoped3A : memref<!tpu.dma_semaphore, #tpu.memory_space<semaphore_mem>>) src(%arg7 : memref<16xf32, #tpu.memory_space<hbm>>) dst(%arg14 : memref<16xf32, #tpu.memory_space<vmem>>)
      tpu.yield
    }) : () -> ()
    %dma_wait3A = arith.constant 0 : i32
    %dma_wait3A_14 = tpu.memref_slice %arg2[%mul3A_4, %dma_wait3A] : memref<128x128xi32, #tpu.memory_space<hbm>> -> memref<4x128xi32, #tpu.memory_space<hbm>>
    %dma_wait3A_15 = arith.constant 0 : i32
    %dma_wait3A_16 = tpu.memref_slice %arg2[%mul3A_4, %dma_wait3A_15] : memref<128x128xi32, #tpu.memory_space<hbm>> -> memref<4x128xi32, #tpu.memory_space<hbm>>
    tpu.wait_dma2 semaphore(%arg16 : memref<!tpu.dma_semaphore, #tpu.memory_space<semaphore_mem>>) src(%dma_wait3A_16 : memref<4x128xi32, #tpu.memory_space<hbm>>) dst(%arg9 : memref<4x128xi32, #tpu.memory_space<vmem>>)
    %dma_wait3A_17 = arith.constant 0 : i32
    %dma_wait3A_18 = tpu.memref_slice %arg3[%mul3A_9, %dma_wait3A_17] : memref<128x128xi32, #tpu.memory_space<hbm>> -> memref<4x128xi32, #tpu.memory_space<hbm>>
    %dma_wait3A_19 = arith.constant 0 : i32
    %dma_wait3A_20 = tpu.memref_slice %arg3[%mul3A_9, %dma_wait3A_19] : memref<128x128xi32, #tpu.memory_space<hbm>> -> memref<4x128xi32, #tpu.memory_space<hbm>>
    tpu.wait_dma2 semaphore(%arg16 : memref<!tpu.dma_semaphore, #tpu.memory_space<semaphore_mem>>) src(%dma_wait3A_20 : memref<4x128xi32, #tpu.memory_space<hbm>>) dst(%arg10 : memref<4x128xi32, #tpu.memory_space<vmem>>)
    %scan3A = arith.constant 0 : i32
    %scan3A_21 = arith.constant 0 : i32
    %scan3A_22 = arith.constant 32 : i32
    %scan3A_23 = arith.addi %scan3A_21, %scan3A_22 : i32
    %scan3A_24 = arith.constant 1 : i32
    %scan3A_25 = scf.for %scan3A_54 = %scan3A_21 to %scan3A_23 step %scan3A_24 iter_args(%scan3A_55 = %scan3A) -> (i32)  : i32 {
      %dma_start3A_56 = arith.constant 0 : i32
      %dma_start3A_57 = arith.constant 0 : i32
      %dma_start3A_58 = tpu.memref_slice %arg11[%scan3A_54, %dma_start3A_57] : memref<32x512xf32, #tpu.memory_space<vmem>> -> memref<1x128xf32, #tpu.memory_space<vmem>>
      %dma_start3A_59 = tpu.memref_squeeze %dma_start3A_58 : memref<1x128xf32, #tpu.memory_space<vmem>> -> memref<128xf32, #tpu.memory_space<vmem>>
      %dma_start3A_60 = arith.constant 0 : i32
      %dma_start3A_61 = tpu.memref_slice %arg9[%dma_start3A_56, %dma_start3A_60] : memref<4x128xi32, #tpu.memory_space<vmem>> -> memref<1x128xi32, #tpu.memory_space<vmem>>
      %dma_start3A_62 = tpu.memref_squeeze %dma_start3A_61 : memref<1x128xi32, #tpu.memory_space<vmem>> -> memref<128xi32, #tpu.memory_space<vmem>>
      %dma_start3A_63 = arith.constant 0 : i32
      %dma_start3A_64 = tpu.memref_slice %arg4[%scan3A_54, %dma_start3A_63] : memref<32x1000000xf32, #tpu.memory_space<hbm>> -> memref<1x1000000xf32, #tpu.memory_space<hbm>>
      %dma_start3A_65 = tpu.memref_squeeze %dma_start3A_64 : memref<1x1000000xf32, #tpu.memory_space<hbm>> -> memref<1000000xf32, #tpu.memory_space<hbm>>
      %dma_start3A_66 = arith.constant 0 : i32
      %dma_start3A_67 = tpu.memref_slice %dma_start3A_65[%dma_start3A_66] : memref<1000000xf32, #tpu.memory_space<hbm>> -> memref<1000000xf32, #tpu.memory_space<hbm>>
      tpu.enqueue_indirect_dma source(%dma_start3A_67 : memref<1000000xf32, #tpu.memory_space<hbm>>) target(%dma_start3A_59 : memref<128xf32, #tpu.memory_space<vmem>>) offsets(%dma_start3A_62 : memref<128xi32, #tpu.memory_space<vmem>>) semaphore(%arg16 : memref<!tpu.dma_semaphore, #tpu.memory_space<semaphore_mem>>)
      %dma_start3A_68 = arith.constant 0 : i32
      %dma_start3A_69 = arith.constant 0 : i32
      %dma_start3A_70 = tpu.memref_slice %arg12[%scan3A_54, %dma_start3A_69] : memref<32x512xf32, #tpu.memory_space<vmem>> -> memref<1x128xf32, #tpu.memory_space<vmem>>
      %dma_start3A_71 = tpu.memref_squeeze %dma_start3A_70 : memref<1x128xf32, #tpu.memory_space<vmem>> -> memref<128xf32, #tpu.memory_space<vmem>>
      %dma_start3A_72 = arith.constant 0 : i32
      %dma_start3A_73 = tpu.memref_slice %arg10[%dma_start3A_68, %dma_start3A_72] : memref<4x128xi32, #tpu.memory_space<vmem>> -> memref<1x128xi32, #tpu.memory_space<vmem>>
      %dma_start3A_74 = tpu.memref_squeeze %dma_start3A_73 : memref<1x128xi32, #tpu.memory_space<vmem>> -> memref<128xi32, #tpu.memory_space<vmem>>
      %dma_start3A_75 = arith.constant 0 : i32
      %dma_start3A_76 = tpu.memref_slice %arg5[%scan3A_54, %dma_start3A_75] : memref<32x1000000xf32, #tpu.memory_space<hbm>> -> memref<1x1000000xf32, #tpu.memory_space<hbm>>
      %dma_start3A_77 = tpu.memref_squeeze %dma_start3A_76 : memref<1x1000000xf32, #tpu.memory_space<hbm>> -> memref<1000000xf32, #tpu.memory_space<hbm>>
      %dma_start3A_78 = arith.constant 0 : i32
      %dma_start3A_79 = tpu.memref_slice %dma_start3A_77[%dma_start3A_78] : memref<1000000xf32, #tpu.memory_space<hbm>> -> memref<1000000xf32, #tpu.memory_space<hbm>>
      tpu.enqueue_indirect_dma source(%dma_start3A_79 : memref<1000000xf32, #tpu.memory_space<hbm>>) target(%dma_start3A_71 : memref<128xf32, #tpu.memory_space<vmem>>) offsets(%dma_start3A_74 : memref<128xi32, #tpu.memory_space<vmem>>) semaphore(%arg16 : memref<!tpu.dma_semaphore, #tpu.memory_space<semaphore_mem>>)
      %dma_start3A_80 = arith.constant 1 : i32
      %dma_start3A_81 = arith.constant 128 : i32
      %dma_start3A_82 = tpu.memref_slice %arg11[%scan3A_54, %dma_start3A_81] : memref<32x512xf32, #tpu.memory_space<vmem>> -> memref<1x128xf32, #tpu.memory_space<vmem>>
      %dma_start3A_83 = tpu.memref_squeeze %dma_start3A_82 : memref<1x128xf32, #tpu.memory_space<vmem>> -> memref<128xf32, #tpu.memory_space<vmem>>
      %dma_start3A_84 = arith.constant 0 : i32
      %dma_start3A_85 = tpu.memref_slice %arg9[%dma_start3A_80, %dma_start3A_84] : memref<4x128xi32, #tpu.memory_space<vmem>> -> memref<1x128xi32, #tpu.memory_space<vmem>>
      %dma_start3A_86 = tpu.memref_squeeze %dma_start3A_85 : memref<1x128xi32, #tpu.memory_space<vmem>> -> memref<128xi32, #tpu.memory_space<vmem>>
      %dma_start3A_87 = arith.constant 0 : i32
      %dma_start3A_88 = tpu.memref_slice %arg4[%scan3A_54, %dma_start3A_87] : memref<32x1000000xf32, #tpu.memory_space<hbm>> -> memref<1x1000000xf32, #tpu.memory_space<hbm>>
      %dma_start3A_89 = tpu.memref_squeeze %dma_start3A_88 : memref<1x1000000xf32, #tpu.memory_space<hbm>> -> memref<1000000xf32, #tpu.memory_space<hbm>>
      %dma_start3A_90 = arith.constant 0 : i32
      %dma_start3A_91 = tpu.memref_slice %dma_start3A_89[%dma_start3A_90] : memref<1000000xf32, #tpu.memory_space<hbm>> -> memref<1000000xf32, #tpu.memory_space<hbm>>
      tpu.enqueue_indirect_dma source(%dma_start3A_91 : memref<1000000xf32, #tpu.memory_space<hbm>>) target(%dma_start3A_83 : memref<128xf32, #tpu.memory_space<vmem>>) offsets(%dma_start3A_86 : memref<128xi32, #tpu.memory_space<vmem>>) semaphore(%arg16 : memref<!tpu.dma_semaphore, #tpu.memory_space<semaphore_mem>>)
      %dma_start3A_92 = arith.constant 1 : i32
      %dma_start3A_93 = arith.constant 128 : i32
      %dma_start3A_94 = tpu.memref_slice %arg12[%scan3A_54, %dma_start3A_93] : memref<32x512xf32, #tpu.memory_space<vmem>> -> memref<1x128xf32, #tpu.memory_space<vmem>>
      %dma_start3A_95 = tpu.memref_squeeze %dma_start3A_94 : memref<1x128xf32, #tpu.memory_space<vmem>> -> memref<128xf32, #tpu.memory_space<vmem>>
      %dma_start3A_96 = arith.constant 0 : i32
      %dma_start3A_97 = tpu.memref_slice %arg10[%dma_start3A_92, %dma_start3A_96] : memref<4x128xi32, #tpu.memory_space<vmem>> -> memref<1x128xi32, #tpu.memory_space<vmem>>
      %dma_start3A_98 = tpu.memref_squeeze %dma_start3A_97 : memref<1x128xi32, #tpu.memory_space<vmem>> -> memref<128xi32, #tpu.memory_space<vmem>>
      %dma_start3A_99 = arith.constant 0 : i32
      %dma_start3A_100 = tpu.memref_slice %arg5[%scan3A_54, %dma_start3A_99] : memref<32x1000000xf32, #tpu.memory_space<hbm>> -> memref<1x1000000xf32, #tpu.memory_space<hbm>>
      %dma_start3A_101 = tpu.memref_squeeze %dma_start3A_100 : memref<1x1000000xf32, #tpu.memory_space<hbm>> -> memref<1000000xf32, #tpu.memory_space<hbm>>
      %dma_start3A_102 = arith.constant 0 : i32
      %dma_start3A_103 = tpu.memref_slice %dma_start3A_101[%dma_start3A_102] : memref<1000000xf32, #tpu.memory_space<hbm>> -> memref<1000000xf32, #tpu.memory_space<hbm>>
      tpu.enqueue_indirect_dma source(%dma_start3A_103 : memref<1000000xf32, #tpu.memory_space<hbm>>) target(%dma_start3A_95 : memref<128xf32, #tpu.memory_space<vmem>>) offsets(%dma_start3A_98 : memref<128xi32, #tpu.memory_space<vmem>>) semaphore(%arg16 : memref<!tpu.dma_semaphore, #tpu.memory_space<semaphore_mem>>)
      %dma_start3A_104 = arith.constant 2 : i32
      %dma_start3A_105 = arith.constant 256 : i32
      %dma_start3A_106 = tpu.memref_slice %arg11[%scan3A_54, %dma_start3A_105] : memref<32x512xf32, #tpu.memory_space<vmem>> -> memref<1x128xf32, #tpu.memory_space<vmem>>
      %dma_start3A_107 = tpu.memref_squeeze %dma_start3A_106 : memref<1x128xf32, #tpu.memory_space<vmem>> -> memref<128xf32, #tpu.memory_space<vmem>>
      %dma_start3A_108 = arith.constant 0 : i32
      %dma_start3A_109 = tpu.memref_slice %arg9[%dma_start3A_104, %dma_start3A_108] : memref<4x128xi32, #tpu.memory_space<vmem>> -> memref<1x128xi32, #tpu.memory_space<vmem>>
      %dma_start3A_110 = tpu.memref_squeeze %dma_start3A_109 : memref<1x128xi32, #tpu.memory_space<vmem>> -> memref<128xi32, #tpu.memory_space<vmem>>
      %dma_start3A_111 = arith.constant 0 : i32
      %dma_start3A_112 = tpu.memref_slice %arg4[%scan3A_54, %dma_start3A_111] : memref<32x1000000xf32, #tpu.memory_space<hbm>> -> memref<1x1000000xf32, #tpu.memory_space<hbm>>
      %dma_start3A_113 = tpu.memref_squeeze %dma_start3A_112 : memref<1x1000000xf32, #tpu.memory_space<hbm>> -> memref<1000000xf32, #tpu.memory_space<hbm>>
      %dma_start3A_114 = arith.constant 0 : i32
      %dma_start3A_115 = tpu.memref_slice %dma_start3A_113[%dma_start3A_114] : memref<1000000xf32, #tpu.memory_space<hbm>> -> memref<1000000xf32, #tpu.memory_space<hbm>>
      tpu.enqueue_indirect_dma source(%dma_start3A_115 : memref<1000000xf32, #tpu.memory_space<hbm>>) target(%dma_start3A_107 : memref<128xf32, #tpu.memory_space<vmem>>) offsets(%dma_start3A_110 : memref<128xi32, #tpu.memory_space<vmem>>) semaphore(%arg16 : memref<!tpu.dma_semaphore, #tpu.memory_space<semaphore_mem>>)
      %dma_start3A_116 = arith.constant 2 : i32
      %dma_start3A_117 = arith.constant 256 : i32
      %dma_start3A_118 = tpu.memref_slice %arg12[%scan3A_54, %dma_start3A_117] : memref<32x512xf32, #tpu.memory_space<vmem>> -> memref<1x128xf32, #tpu.memory_space<vmem>>
      %dma_start3A_119 = tpu.memref_squeeze %dma_start3A_118 : memref<1x128xf32, #tpu.memory_space<vmem>> -> memref<128xf32, #tpu.memory_space<vmem>>
      %dma_start3A_120 = arith.constant 0 : i32
      %dma_start3A_121 = tpu.memref_slice %arg10[%dma_start3A_116, %dma_start3A_120] : memref<4x128xi32, #tpu.memory_space<vmem>> -> memref<1x128xi32, #tpu.memory_space<vmem>>
      %dma_start3A_122 = tpu.memref_squeeze %dma_start3A_121 : memref<1x128xi32, #tpu.memory_space<vmem>> -> memref<128xi32, #tpu.memory_space<vmem>>
      %dma_start3A_123 = arith.constant 0 : i32
      %dma_start3A_124 = tpu.memref_slice %arg5[%scan3A_54, %dma_start3A_123] : memref<32x1000000xf32, #tpu.memory_space<hbm>> -> memref<1x1000000xf32, #tpu.memory_space<hbm>>
      %dma_start3A_125 = tpu.memref_squeeze %dma_start3A_124 : memref<1x1000000xf32, #tpu.memory_space<hbm>> -> memref<1000000xf32, #tpu.memory_space<hbm>>
      %dma_start3A_126 = arith.constant 0 : i32
      %dma_start3A_127 = tpu.memref_slice %dma_start3A_125[%dma_start3A_126] : memref<1000000xf32, #tpu.memory_space<hbm>> -> memref<1000000xf32, #tpu.memory_space<hbm>>
      tpu.enqueue_indirect_dma source(%dma_start3A_127 : memref<1000000xf32, #tpu.memory_space<hbm>>) target(%dma_start3A_119 : memref<128xf32, #tpu.memory_space<vmem>>) offsets(%dma_start3A_122 : memref<128xi32, #tpu.memory_space<vmem>>) semaphore(%arg16 : memref<!tpu.dma_semaphore, #tpu.memory_space<semaphore_mem>>)
      %dma_start3A_128 = arith.constant 3 : i32
      %dma_start3A_129 = arith.constant 384 : i32
      %dma_start3A_130 = tpu.memref_slice %arg11[%scan3A_54, %dma_start3A_129] : memref<32x512xf32, #tpu.memory_space<vmem>> -> memref<1x128xf32, #tpu.memory_space<vmem>>
      %dma_start3A_131 = tpu.memref_squeeze %dma_start3A_130 : memref<1x128xf32, #tpu.memory_space<vmem>> -> memref<128xf32, #tpu.memory_space<vmem>>
      %dma_start3A_132 = arith.constant 0 : i32
      %dma_start3A_133 = tpu.memref_slice %arg9[%dma_start3A_128, %dma_start3A_132] : memref<4x128xi32, #tpu.memory_space<vmem>> -> memref<1x128xi32, #tpu.memory_space<vmem>>
      %dma_start3A_134 = tpu.memref_squeeze %dma_start3A_133 : memref<1x128xi32, #tpu.memory_space<vmem>> -> memref<128xi32, #tpu.memory_space<vmem>>
      %dma_start3A_135 = arith.constant 0 : i32
      %dma_start3A_136 = tpu.memref_slice %arg4[%scan3A_54, %dma_start3A_135] : memref<32x1000000xf32, #tpu.memory_space<hbm>> -> memref<1x1000000xf32, #tpu.memory_space<hbm>>
      %dma_start3A_137 = tpu.memref_squeeze %dma_start3A_136 : memref<1x1000000xf32, #tpu.memory_space<hbm>> -> memref<1000000xf32, #tpu.memory_space<hbm>>
      %dma_start3A_138 = arith.constant 0 : i32
      %dma_start3A_139 = tpu.memref_slice %dma_start3A_137[%dma_start3A_138] : memref<1000000xf32, #tpu.memory_space<hbm>> -> memref<1000000xf32, #tpu.memory_space<hbm>>
      tpu.enqueue_indirect_dma source(%dma_start3A_139 : memref<1000000xf32, #tpu.memory_space<hbm>>) target(%dma_start3A_131 : memref<128xf32, #tpu.memory_space<vmem>>) offsets(%dma_start3A_134 : memref<128xi32, #tpu.memory_space<vmem>>) semaphore(%arg16 : memref<!tpu.dma_semaphore, #tpu.memory_space<semaphore_mem>>)
      %dma_start3A_140 = arith.constant 3 : i32
      %dma_start3A_141 = arith.constant 384 : i32
      %dma_start3A_142 = tpu.memref_slice %arg12[%scan3A_54, %dma_start3A_141] : memref<32x512xf32, #tpu.memory_space<vmem>> -> memref<1x128xf32, #tpu.memory_space<vmem>>
      %dma_start3A_143 = tpu.memref_squeeze %dma_start3A_142 : memref<1x128xf32, #tpu.memory_space<vmem>> -> memref<128xf32, #tpu.memory_space<vmem>>
      %dma_start3A_144 = arith.constant 0 : i32
      %dma_start3A_145 = tpu.memref_slice %arg10[%dma_start3A_140, %dma_start3A_144] : memref<4x128xi32, #tpu.memory_space<vmem>> -> memref<1x128xi32, #tpu.memory_space<vmem>>
      %dma_start3A_146 = tpu.memref_squeeze %dma_start3A_145 : memref<1x128xi32, #tpu.memory_space<vmem>> -> memref<128xi32, #tpu.memory_space<vmem>>
      %dma_start3A_147 = arith.constant 0 : i32
      %dma_start3A_148 = tpu.memref_slice %arg5[%scan3A_54, %dma_start3A_147] : memref<32x1000000xf32, #tpu.memory_space<hbm>> -> memref<1x1000000xf32, #tpu.memory_space<hbm>>
      %dma_start3A_149 = tpu.memref_squeeze %dma_start3A_148 : memref<1x1000000xf32, #tpu.memory_space<hbm>> -> memref<1000000xf32, #tpu.memory_space<hbm>>
      %dma_start3A_150 = arith.constant 0 : i32
      %dma_start3A_151 = tpu.memref_slice %dma_start3A_149[%dma_start3A_150] : memref<1000000xf32, #tpu.memory_space<hbm>> -> memref<1000000xf32, #tpu.memory_space<hbm>>
      tpu.enqueue_indirect_dma source(%dma_start3A_151 : memref<1000000xf32, #tpu.memory_space<hbm>>) target(%dma_start3A_143 : memref<128xf32, #tpu.memory_space<vmem>>) offsets(%dma_start3A_146 : memref<128xi32, #tpu.memory_space<vmem>>) semaphore(%arg16 : memref<!tpu.dma_semaphore, #tpu.memory_space<semaphore_mem>>)
      %scan3A_152 = arith.constant 0 : i32
      scf.yield %scan3A_152 : i32
    }
    %scan3A_26 = arith.constant 32 : i32
    %dma_wait3A_27 = arith.constant 0 : i32
    %dma_wait3A_28 = arith.constant 0 : i32
    %dma_wait3A_29 = tpu.memref_slice %arg4[%dma_wait3A_27, %dma_wait3A_28] : memref<32x1000000xf32, #tpu.memory_space<hbm>> -> memref<32x512xf32, #tpu.memory_space<hbm>>
    %dma_wait3A_30 = arith.constant 0 : i32
    %dma_wait3A_31 = arith.constant 0 : i32
    %dma_wait3A_32 = tpu.memref_slice %arg4[%dma_wait3A_30, %dma_wait3A_31] : memref<32x1000000xf32, #tpu.memory_space<hbm>> -> memref<32x512xf32, #tpu.memory_space<hbm>>
    tpu.wait_dma2 semaphore(%arg16 : memref<!tpu.dma_semaphore, #tpu.memory_space<semaphore_mem>>) src(%dma_wait3A_32 : memref<32x512xf32, #tpu.memory_space<hbm>>) dst(%arg11 : memref<32x512xf32, #tpu.memory_space<vmem>>)
    %dma_wait3A_33 = arith.constant 0 : i32
    %dma_wait3A_34 = arith.constant 0 : i32
    %dma_wait3A_35 = tpu.memref_slice %arg5[%dma_wait3A_33, %dma_wait3A_34] : memref<32x1000000xf32, #tpu.memory_space<hbm>> -> memref<32x512xf32, #tpu.memory_space<hbm>>
    %dma_wait3A_36 = arith.constant 0 : i32
    %dma_wait3A_37 = arith.constant 0 : i32
    %dma_wait3A_38 = tpu.memref_slice %arg5[%dma_wait3A_36, %dma_wait3A_37] : memref<32x1000000xf32, #tpu.memory_space<hbm>> -> memref<32x512xf32, #tpu.memory_space<hbm>>
    tpu.wait_dma2 semaphore(%arg16 : memref<!tpu.dma_semaphore, #tpu.memory_space<semaphore_mem>>) src(%dma_wait3A_38 : memref<32x512xf32, #tpu.memory_space<hbm>>) dst(%arg12 : memref<32x512xf32, #tpu.memory_space<vmem>>)
    %get3A = arith.constant 0 : index
    %get3A_39 = tpu.vector_load %arg13[%get3A] {strides = array<i32>} : memref<32xf32, #tpu.memory_space<vmem>>, vector<16xf32>,
    %get3A_40 = vector.shape_cast %get3A_39 : vector<16xf32> to vector<16xf32>
    %get3A_41 = arith.constant 16 : index
    %get3A_42 = tpu.vector_load %arg13[%get3A_41] {strides = array<i32>} : memref<32xf32, #tpu.memory_space<vmem>>, vector<16xf32>,
    %get3A_43 = vector.shape_cast %get3A_42 : vector<16xf32> to vector<16xf32>
    %get3A_44 = arith.constant 0 : index
    %get3A_45 = tpu.vector_load %arg14[%get3A_44] {strides = array<i32>} : memref<16xf32, #tpu.memory_space<vmem>>, vector<16xf32>,
    %get3A_46 = vector.shape_cast %get3A_45 : vector<16xf32> to vector<16xf32>
    %scan3A_47 = arith.constant 0 : i32
    %scan3A_48 = arith.constant 0 : i32
    %scan3A_49 = arith.constant 32 : i32
    %scan3A_50 = arith.addi %scan3A_48, %scan3A_49 : i32
    %scan3A_51 = arith.constant 1 : i32
    %scan3A_52 = scf.for %scan3A_54 = %scan3A_48 to %scan3A_50 step %scan3A_51 iter_args(%scan3A_55 = %scan3A_47) -> (i32)  : i32 {
      %mul3A_56 = arith.constant 16 : i32
      %mul3A_57 = arith.muli %scan3A_54, %mul3A_56 : i32
      %broadcast_in_dim3A = arith.constant 0.000000e+00 : f32
      %broadcast_in_dim3A_58 = vector.broadcast %broadcast_in_dim3A : f32 to vector<16xf32>
      %broadcast_in_dim3A_59 = arith.constant 0 : i32
      %broadcast_in_dim3A_60 = vector.broadcast %broadcast_in_dim3A_59 : i32 to vector<16xi32>
      %lt3A = arith.constant 0 : i32
      %lt3A_61 = vector.broadcast %lt3A : i32 to vector<16xi32>
      %lt3A_62 = arith.cmpi slt, %broadcast_in_dim3A_60, %lt3A_61 : vector<16xi32>
      %add3A_63 = arith.constant 16 : i32
      %add3A_64 = vector.broadcast %add3A_63 : i32 to vector<16xi32>
      %add3A_65 = arith.addi %broadcast_in_dim3A_60, %add3A_64 : vector<16xi32>
      %select_n3A = arith.select %lt3A_62, %add3A_65, %broadcast_in_dim3A_60 : vector<16xi1>, vector<16xi32>
      %broadcast_in_dim3A_66 = vector.shape_cast %select_n3A : vector<16xi32> to vector<16x1xi32>
      %gather3A = vector.shape_cast %broadcast_in_dim3A_66 : vector<16x1xi32> to vector<16xi32>
      %gather3A_67 = tpu.dynamic_gather %get3A_40[%gather3A] in [0] : vector<16xf32>, vector<16xi32> -> vector<16xf32>
      %get3A_68 = arith.constant 0 : i32
      %get3A_69 = arith.index_cast %get3A_68 : i32 to index
      %get3A_70 = arith.index_cast %mul3A_57 : i32 to index
      %get3A_71 = tpu.vector_load %arg11[%get3A_69, %get3A_70] {strides = array<i32>} : memref<32x512xf32, #tpu.memory_space<vmem>>, vector<1x16xf32>,
      %get3A_72 = vector.shape_cast %get3A_71 : vector<1x16xf32> to vector<16xf32>
      %get3A_73 = arith.constant 0 : i32
      %get3A_74 = arith.index_cast %get3A_73 : i32 to index
      %get3A_75 = arith.index_cast %mul3A_57 : i32 to index
      %get3A_76 = tpu.vector_load %arg12[%get3A_74, %get3A_75] {strides = array<i32>} : memref<32x512xf32, #tpu.memory_space<vmem>>, vector<1x16xf32>,
      %get3A_77 = vector.shape_cast %get3A_76 : vector<1x16xf32> to vector<16xf32>
      %mul3A_78 = arith.mulf %get3A_72, %get3A_77 : vector<16xf32>
      %mul3A_79 = arith.mulf %mul3A_78, %gather3A_67 : vector<16xf32>
      %add3A_80 = arith.addf %broadcast_in_dim3A_58, %mul3A_79 : vector<16xf32>
      %broadcast_in_dim3A_81 = arith.constant 1 : i32
      %broadcast_in_dim3A_82 = vector.broadcast %broadcast_in_dim3A_81 : i32 to vector<16xi32>
      %lt3A_83 = arith.constant 0 : i32
      %lt3A_84 = vector.broadcast %lt3A_83 : i32 to vector<16xi32>
      %lt3A_85 = arith.cmpi slt, %broadcast_in_dim3A_82, %lt3A_84 : vector<16xi32>
      %add3A_86 = arith.constant 16 : i32
      %add3A_87 = vector.broadcast %add3A_86 : i32 to vector<16xi32>
      %add3A_88 = arith.addi %broadcast_in_dim3A_82, %add3A_87 : vector<16xi32>
      %select_n3A_89 = arith.select %lt3A_85, %add3A_88, %broadcast_in_dim3A_82 : vector<16xi1>, vector<16xi32>
      %broadcast_in_dim3A_90 = vector.shape_cast %select_n3A_89 : vector<16xi32> to vector<16x1xi32>
      %gather3A_91 = vector.shape_cast %broadcast_in_dim3A_90 : vector<16x1xi32> to vector<16xi32>
      %gather3A_92 = tpu.dynamic_gather %get3A_40[%gather3A_91] in [0] : vector<16xf32>, vector<16xi32> -> vector<16xf32>
      %get3A_93 = arith.constant 1 : i32
      %get3A_94 = arith.index_cast %get3A_93 : i32 to index
      %get3A_95 = arith.index_cast %mul3A_57 : i32 to index
      %get3A_96 = tpu.vector_load %arg11[%get3A_94, %get3A_95] {strides = array<i32>} : memref<32x512xf32, #tpu.memory_space<vmem>>, vector<1x16xf32>,
      %get3A_97 = vector.shape_cast %get3A_96 : vector<1x16xf32> to vector<16xf32>
      %get3A_98 = arith.constant 1 : i32
      %get3A_99 = arith.index_cast %get3A_98 : i32 to index
      %get3A_100 = arith.index_cast %mul3A_57 : i32 to index
      %get3A_101 = tpu.vector_load %arg12[%get3A_99, %get3A_100] {strides = array<i32>} : memref<32x512xf32, #tpu.memory_space<vmem>>, vector<1x16xf32>,
      %get3A_102 = vector.shape_cast %get3A_101 : vector<1x16xf32> to vector<16xf32>
      %mul3A_103 = arith.mulf %get3A_97, %get3A_102 : vector<16xf32>
      %mul3A_104 = arith.mulf %mul3A_103, %gather3A_92 : vector<16xf32>
      %add3A_105 = arith.addf %add3A_80, %mul3A_104 : vector<16xf32>
      %broadcast_in_dim3A_106 = arith.constant 2 : i32
      %broadcast_in_dim3A_107 = vector.broadcast %broadcast_in_dim3A_106 : i32 to vector<16xi32>
      %lt3A_108 = arith.constant 0 : i32
      %lt3A_109 = vector.broadcast %lt3A_108 : i32 to vector<16xi32>
      %lt3A_110 = arith.cmpi slt, %broadcast_in_dim3A_107, %lt3A_109 : vector<16xi32>
      %add3A_111 = arith.constant 16 : i32
      %add3A_112 = vector.broadcast %add3A_111 : i32 to vector<16xi32>
      %add3A_113 = arith.addi %broadcast_in_dim3A_107, %add3A_112 : vector<16xi32>
      %select_n3A_114 = arith.select %lt3A_110, %add3A_113, %broadcast_in_dim3A_107 : vector<16xi1>, vector<16xi32>
      %broadcast_in_dim3A_115 = vector.shape_cast %select_n3A_114 : vector<16xi32> to vector<16x1xi32>
      %gather3A_116 = vector.shape_cast %broadcast_in_dim3A_115 : vector<16x1xi32> to vector<16xi32>
      %gather3A_117 = tpu.dynamic_gather %get3A_40[%gather3A_116] in [0] : vector<16xf32>, vector<16xi32> -> vector<16xf32>
      %get3A_118 = arith.constant 2 : i32
      %get3A_119 = arith.index_cast %get3A_118 : i32 to index
      %get3A_120 = arith.index_cast %mul3A_57 : i32 to index
      %get3A_121 = tpu.vector_load %arg11[%get3A_119, %get3A_120] {strides = array<i32>} : memref<32x512xf32, #tpu.memory_space<vmem>>, vector<1x16xf32>,
      %get3A_122 = vector.shape_cast %get3A_121 : vector<1x16xf32> to vector<16xf32>
      %get3A_123 = arith.constant 2 : i32
      %get3A_124 = arith.index_cast %get3A_123 : i32 to index
      %get3A_125 = arith.index_cast %mul3A_57 : i32 to index
      %get3A_126 = tpu.vector_load %arg12[%get3A_124, %get3A_125] {strides = array<i32>} : memref<32x512xf32, #tpu.memory_space<vmem>>, vector<1x16xf32>,
      %get3A_127 = vector.shape_cast %get3A_126 : vector<1x16xf32> to vector<16xf32>
      %mul3A_128 = arith.mulf %get3A_122, %get3A_127 : vector<16xf32>
      %mul3A_129 = arith.mulf %mul3A_128, %gather3A_117 : vector<16xf32>
      %add3A_130 = arith.addf %add3A_105, %mul3A_129 : vector<16xf32>
      %broadcast_in_dim3A_131 = arith.constant 3 : i32
      %broadcast_in_dim3A_132 = vector.broadcast %broadcast_in_dim3A_131 : i32 to vector<16xi32>
      %lt3A_133 = arith.constant 0 : i32
      %lt3A_134 = vector.broadcast %lt3A_133 : i32 to vector<16xi32>
      %lt3A_135 = arith.cmpi slt, %broadcast_in_dim3A_132, %lt3A_134 : vector<16xi32>
      %add3A_136 = arith.constant 16 : i32
      %add3A_137 = vector.broadcast %add3A_136 : i32 to vector<16xi32>
      %add3A_138 = arith.addi %broadcast_in_dim3A_132, %add3A_137 : vector<16xi32>
      %select_n3A_139 = arith.select %lt3A_135, %add3A_138, %broadcast_in_dim3A_132 : vector<16xi1>, vector<16xi32>
      %broadcast_in_dim3A_140 = vector.shape_cast %select_n3A_139 : vector<16xi32> to vector<16x1xi32>
      %gather3A_141 = vector.shape_cast %broadcast_in_dim3A_140 : vector<16x1xi32> to vector<16xi32>
      %gather3A_142 = tpu.dynamic_gather %get3A_40[%gather3A_141] in [0] : vector<16xf32>, vector<16xi32> -> vector<16xf32>
      %get3A_143 = arith.constant 3 : i32
      %get3A_144 = arith.index_cast %get3A_143 : i32 to index
      %get3A_145 = arith.index_cast %mul3A_57 : i32 to index
      %get3A_146 = tpu.vector_load %arg11[%get3A_144, %get3A_145] {strides = array<i32>} : memref<32x512xf32, #tpu.memory_space<vmem>>, vector<1x16xf32>,
      %get3A_147 = vector.shape_cast %get3A_146 : vector<1x16xf32> to vector<16xf32>
      %get3A_148 = arith.constant 3 : i32
      %get3A_149 = arith.index_cast %get3A_148 : i32 to index
      %get3A_150 = arith.index_cast %mul3A_57 : i32 to index
      %get3A_151 = tpu.vector_load %arg12[%get3A_149, %get3A_150] {strides = array<i32>} : memref<32x512xf32, #tpu.memory_space<vmem>>, vector<1x16xf32>,
      %get3A_152 = vector.shape_cast %get3A_151 : vector<1x16xf32> to vector<16xf32>
      %mul3A_153 = arith.mulf %get3A_147, %get3A_152 : vector<16xf32>
      %mul3A_154 = arith.mulf %mul3A_153, %gather3A_142 : vector<16xf32>
      %add3A_155 = arith.addf %add3A_130, %mul3A_154 : vector<16xf32>
      %broadcast_in_dim3A_156 = arith.constant 4 : i32
      %broadcast_in_dim3A_157 = vector.broadcast %broadcast_in_dim3A_156 : i32 to vector<16xi32>
      %lt3A_158 = arith.constant 0 : i32
      %lt3A_159 = vector.broadcast %lt3A_158 : i32 to vector<16xi32>
      %lt3A_160 = arith.cmpi slt, %broadcast_in_dim3A_157, %lt3A_159 : vector<16xi32>
      %add3A_161 = arith.constant 16 : i32
      %add3A_162 = vector.broadcast %add3A_161 : i32 to vector<16xi32>
      %add3A_163 = arith.addi %broadcast_in_dim3A_157, %add3A_162 : vector<16xi32>
      %select_n3A_164 = arith.select %lt3A_160, %add3A_163, %broadcast_in_dim3A_157 : vector<16xi1>, vector<16xi32>
      %broadcast_in_dim3A_165 = vector.shape_cast %select_n3A_164 : vector<16xi32> to vector<16x1xi32>
      %gather3A_166 = vector.shape_cast %broadcast_in_dim3A_165 : vector<16x1xi32> to vector<16xi32>
      %gather3A_167 = tpu.dynamic_gather %get3A_40[%gather3A_166] in [0] : vector<16xf32>, vector<16xi32> -> vector<16xf32>
      %get3A_168 = arith.constant 4 : i32
      %get3A_169 = arith.index_cast %get3A_168 : i32 to index
      %get3A_170 = arith.index_cast %mul3A_57 : i32 to index
      %get3A_171 = tpu.vector_load %arg11[%get3A_169, %get3A_170] {strides = array<i32>} : memref<32x512xf32, #tpu.memory_space<vmem>>, vector<1x16xf32>,
      %get3A_172 = vector.shape_cast %get3A_171 : vector<1x16xf32> to vector<16xf32>
      %get3A_173 = arith.constant 4 : i32
      %get3A_174 = arith.index_cast %get3A_173 : i32 to index
      %get3A_175 = arith.index_cast %mul3A_57 : i32 to index
      %get3A_176 = tpu.vector_load %arg12[%get3A_174, %get3A_175] {strides = array<i32>} : memref<32x512xf32, #tpu.memory_space<vmem>>, vector<1x16xf32>,
      %get3A_177 = vector.shape_cast %get3A_176 : vector<1x16xf32> to vector<16xf32>
      %mul3A_178 = arith.mulf %get3A_172, %get3A_177 : vector<16xf32>
      %mul3A_179 = arith.mulf %mul3A_178, %gather3A_167 : vector<16xf32>
      %add3A_180 = arith.addf %add3A_155, %mul3A_179 : vector<16xf32>
      %broadcast_in_dim3A_181 = arith.constant 5 : i32
      %broadcast_in_dim3A_182 = vector.broadcast %broadcast_in_dim3A_181 : i32 to vector<16xi32>
      %lt3A_183 = arith.constant 0 : i32
      %lt3A_184 = vector.broadcast %lt3A_183 : i32 to vector<16xi32>
      %lt3A_185 = arith.cmpi slt, %broadcast_in_dim3A_182, %lt3A_184 : vector<16xi32>
      %add3A_186 = arith.constant 16 : i32
      %add3A_187 = vector.broadcast %add3A_186 : i32 to vector<16xi32>
      %add3A_188 = arith.addi %broadcast_in_dim3A_182, %add3A_187 : vector<16xi32>
      %select_n3A_189 = arith.select %lt3A_185, %add3A_188, %broadcast_in_dim3A_182 : vector<16xi1>, vector<16xi32>
      %broadcast_in_dim3A_190 = vector.shape_cast %select_n3A_189 : vector<16xi32> to vector<16x1xi32>
      %gather3A_191 = vector.shape_cast %broadcast_in_dim3A_190 : vector<16x1xi32> to vector<16xi32>
      %gather3A_192 = tpu.dynamic_gather %get3A_40[%gather3A_191] in [0] : vector<16xf32>, vector<16xi32> -> vector<16xf32>
      %get3A_193 = arith.constant 5 : i32
      %get3A_194 = arith.index_cast %get3A_193 : i32 to index
      %get3A_195 = arith.index_cast %mul3A_57 : i32 to index
      %get3A_196 = tpu.vector_load %arg11[%get3A_194, %get3A_195] {strides = array<i32>} : memref<32x512xf32, #tpu.memory_space<vmem>>, vector<1x16xf32>,
      %get3A_197 = vector.shape_cast %get3A_196 : vector<1x16xf32> to vector<16xf32>
      %get3A_198 = arith.constant 5 : i32
      %get3A_199 = arith.index_cast %get3A_198 : i32 to index
      %get3A_200 = arith.index_cast %mul3A_57 : i32 to index
      %get3A_201 = tpu.vector_load %arg12[%get3A_199, %get3A_200] {strides = array<i32>} : memref<32x512xf32, #tpu.memory_space<vmem>>, vector<1x16xf32>,
      %get3A_202 = vector.shape_cast %get3A_201 : vector<1x16xf32> to vector<16xf32>
      %mul3A_203 = arith.mulf %get3A_197, %get3A_202 : vector<16xf32>
      %mul3A_204 = arith.mulf %mul3A_203, %gather3A_192 : vector<16xf32>
      %add3A_205 = arith.addf %add3A_180, %mul3A_204 : vector<16xf32>
      %broadcast_in_dim3A_206 = arith.constant 6 : i32
      %broadcast_in_dim3A_207 = vector.broadcast %broadcast_in_dim3A_206 : i32 to vector<16xi32>
      %lt3A_208 = arith.constant 0 : i32
      %lt3A_209 = vector.broadcast %lt3A_208 : i32 to vector<16xi32>
      %lt3A_210 = arith.cmpi slt, %broadcast_in_dim3A_207, %lt3A_209 : vector<16xi32>
      %add3A_211 = arith.constant 16 : i32
      %add3A_212 = vector.broadcast %add3A_211 : i32 to vector<16xi32>
      %add3A_213 = arith.addi %broadcast_in_dim3A_207, %add3A_212 : vector<16xi32>
      %select_n3A_214 = arith.select %lt3A_210, %add3A_213, %broadcast_in_dim3A_207 : vector<16xi1>, vector<16xi32>
      %broadcast_in_dim3A_215 = vector.shape_cast %select_n3A_214 : vector<16xi32> to vector<16x1xi32>
      %gather3A_216 = vector.shape_cast %broadcast_in_dim3A_215 : vector<16x1xi32> to vector<16xi32>
      %gather3A_217 = tpu.dynamic_gather %get3A_40[%gather3A_216] in [0] : vector<16xf32>, vector<16xi32> -> vector<16xf32>
      %get3A_218 = arith.constant 6 : i32
      %get3A_219 = arith.index_cast %get3A_218 : i32 to index
      %get3A_220 = arith.index_cast %mul3A_57 : i32 to index
      %get3A_221 = tpu.vector_load %arg11[%get3A_219, %get3A_220] {strides = array<i32>} : memref<32x512xf32, #tpu.memory_space<vmem>>, vector<1x16xf32>,
      %get3A_222 = vector.shape_cast %get3A_221 : vector<1x16xf32> to vector<16xf32>
      %get3A_223 = arith.constant 6 : i32
      %get3A_224 = arith.index_cast %get3A_223 : i32 to index
      %get3A_225 = arith.index_cast %mul3A_57 : i32 to index
      %get3A_226 = tpu.vector_load %arg12[%get3A_224, %get3A_225] {strides = array<i32>} : memref<32x512xf32, #tpu.memory_space<vmem>>, vector<1x16xf32>,
      %get3A_227 = vector.shape_cast %get3A_226 : vector<1x16xf32> to vector<16xf32>
      %mul3A_228 = arith.mulf %get3A_222, %get3A_227 : vector<16xf32>
      %mul3A_229 = arith.mulf %mul3A_228, %gather3A_217 : vector<16xf32>
      %add3A_230 = arith.addf %add3A_205, %mul3A_229 : vector<16xf32>
      %broadcast_in_dim3A_231 = arith.constant 7 : i32
      %broadcast_in_dim3A_232 = vector.broadcast %broadcast_in_dim3A_231 : i32 to vector<16xi32>
      %lt3A_233 = arith.constant 0 : i32
      %lt3A_234 = vector.broadcast %lt3A_233 : i32 to vector<16xi32>
      %lt3A_235 = arith.cmpi slt, %broadcast_in_dim3A_232, %lt3A_234 : vector<16xi32>
      %add3A_236 = arith.constant 16 : i32
      %add3A_237 = vector.broadcast %add3A_236 : i32 to vector<16xi32>
      %add3A_238 = arith.addi %broadcast_in_dim3A_232, %add3A_237 : vector<16xi32>
      %select_n3A_239 = arith.select %lt3A_235, %add3A_238, %broadcast_in_dim3A_232 : vector<16xi1>, vector<16xi32>
      %broadcast_in_dim3A_240 = vector.shape_cast %select_n3A_239 : vector<16xi32> to vector<16x1xi32>
      %gather3A_241 = vector.shape_cast %broadcast_in_dim3A_240 : vector<16x1xi32> to vector<16xi32>
      %gather3A_242 = tpu.dynamic_gather %get3A_40[%gather3A_241] in [0] : vector<16xf32>, vector<16xi32> -> vector<16xf32>
      %get3A_243 = arith.constant 7 : i32
      %get3A_244 = arith.index_cast %get3A_243 : i32 to index
      %get3A_245 = arith.index_cast %mul3A_57 : i32 to index
      %get3A_246 = tpu.vector_load %arg11[%get3A_244, %get3A_245] {strides = array<i32>} : memref<32x512xf32, #tpu.memory_space<vmem>>, vector<1x16xf32>,
      %get3A_247 = vector.shape_cast %get3A_246 : vector<1x16xf32> to vector<16xf32>
      %get3A_248 = arith.constant 7 : i32
      %get3A_249 = arith.index_cast %get3A_248 : i32 to index
      %get3A_250 = arith.index_cast %mul3A_57 : i32 to index
      %get3A_251 = tpu.vector_load %arg12[%get3A_249, %get3A_250] {strides = array<i32>} : memref<32x512xf32, #tpu.memory_space<vmem>>, vector<1x16xf32>,
      %get3A_252 = vector.shape_cast %get3A_251 : vector<1x16xf32> to vector<16xf32>
      %mul3A_253 = arith.mulf %get3A_247, %get3A_252 : vector<16xf32>
      %mul3A_254 = arith.mulf %mul3A_253, %gather3A_242 : vector<16xf32>
      %add3A_255 = arith.addf %add3A_230, %mul3A_254 : vector<16xf32>
      %broadcast_in_dim3A_256 = arith.constant 8 : i32
      %broadcast_in_dim3A_257 = vector.broadcast %broadcast_in_dim3A_256 : i32 to vector<16xi32>
      %lt3A_258 = arith.constant 0 : i32
      %lt3A_259 = vector.broadcast %lt3A_258 : i32 to vector<16xi32>
      %lt3A_260 = arith.cmpi slt, %broadcast_in_dim3A_257, %lt3A_259 : vector<16xi32>
      %add3A_261 = arith.constant 16 : i32
      %add3A_262 = vector.broadcast %add3A_261 : i32 to vector<16xi32>
      %add3A_263 = arith.addi %broadcast_in_dim3A_257, %add3A_262 : vector<16xi32>
      %select_n3A_264 = arith.select %lt3A_260, %add3A_263, %broadcast_in_dim3A_257 : vector<16xi1>, vector<16xi32>
      %broadcast_in_dim3A_265 = vector.shape_cast %select_n3A_264 : vector<16xi32> to vector<16x1xi32>
      %gather3A_266 = vector.shape_cast %broadcast_in_dim3A_265 : vector<16x1xi32> to vector<16xi32>
      %gather3A_267 = tpu.dynamic_gather %get3A_40[%gather3A_266] in [0] : vector<16xf32>, vector<16xi32> -> vector<16xf32>
      %get3A_268 = arith.constant 8 : i32
      %get3A_269 = arith.index_cast %get3A_268 : i32 to index
      %get3A_270 = arith.index_cast %mul3A_57 : i32 to index
      %get3A_271 = tpu.vector_load %arg11[%get3A_269, %get3A_270] {strides = array<i32>} : memref<32x512xf32, #tpu.memory_space<vmem>>, vector<1x16xf32>,
      %get3A_272 = vector.shape_cast %get3A_271 : vector<1x16xf32> to vector<16xf32>
      %get3A_273 = arith.constant 8 : i32
      %get3A_274 = arith.index_cast %get3A_273 : i32 to index
      %get3A_275 = arith.index_cast %mul3A_57 : i32 to index
      %get3A_276 = tpu.vector_load %arg12[%get3A_274, %get3A_275] {strides = array<i32>} : memref<32x512xf32, #tpu.memory_space<vmem>>, vector<1x16xf32>,
      %get3A_277 = vector.shape_cast %get3A_276 : vector<1x16xf32> to vector<16xf32>
      %mul3A_278 = arith.mulf %get3A_272, %get3A_277 : vector<16xf32>
      %mul3A_279 = arith.mulf %mul3A_278, %gather3A_267 : vector<16xf32>
      %add3A_280 = arith.addf %add3A_255, %mul3A_279 : vector<16xf32>
      %broadcast_in_dim3A_281 = arith.constant 9 : i32
      %broadcast_in_dim3A_282 = vector.broadcast %broadcast_in_dim3A_281 : i32 to vector<16xi32>
      %lt3A_283 = arith.constant 0 : i32
      %lt3A_284 = vector.broadcast %lt3A_283 : i32 to vector<16xi32>
      %lt3A_285 = arith.cmpi slt, %broadcast_in_dim3A_282, %lt3A_284 : vector<16xi32>
      %add3A_286 = arith.constant 16 : i32
      %add3A_287 = vector.broadcast %add3A_286 : i32 to vector<16xi32>
      %add3A_288 = arith.addi %broadcast_in_dim3A_282, %add3A_287 : vector<16xi32>
      %select_n3A_289 = arith.select %lt3A_285, %add3A_288, %broadcast_in_dim3A_282 : vector<16xi1>, vector<16xi32>
      %broadcast_in_dim3A_290 = vector.shape_cast %select_n3A_289 : vector<16xi32> to vector<16x1xi32>
      %gather3A_291 = vector.shape_cast %broadcast_in_dim3A_290 : vector<16x1xi32> to vector<16xi32>
      %gather3A_292 = tpu.dynamic_gather %get3A_40[%gather3A_291] in [0] : vector<16xf32>, vector<16xi32> -> vector<16xf32>
      %get3A_293 = arith.constant 9 : i32
      %get3A_294 = arith.index_cast %get3A_293 : i32 to index
      %get3A_295 = arith.index_cast %mul3A_57 : i32 to index
      %get3A_296 = tpu.vector_load %arg11[%get3A_294, %get3A_295] {strides = array<i32>} : memref<32x512xf32, #tpu.memory_space<vmem>>, vector<1x16xf32>,
      %get3A_297 = vector.shape_cast %get3A_296 : vector<1x16xf32> to vector<16xf32>
      %get3A_298 = arith.constant 9 : i32
      %get3A_299 = arith.index_cast %get3A_298 : i32 to index
      %get3A_300 = arith.index_cast %mul3A_57 : i32 to index
      %get3A_301 = tpu.vector_load %arg12[%get3A_299, %get3A_300] {strides = array<i32>} : memref<32x512xf32, #tpu.memory_space<vmem>>, vector<1x16xf32>,
      %get3A_302 = vector.shape_cast %get3A_301 : vector<1x16xf32> to vector<16xf32>
      %mul3A_303 = arith.mulf %get3A_297, %get3A_302 : vector<16xf32>
      %mul3A_304 = arith.mulf %mul3A_303, %gather3A_292 : vector<16xf32>
      %add3A_305 = arith.addf %add3A_280, %mul3A_304 : vector<16xf32>
      %broadcast_in_dim3A_306 = arith.constant 10 : i32
      %broadcast_in_dim3A_307 = vector.broadcast %broadcast_in_dim3A_306 : i32 to vector<16xi32>
      %lt3A_308 = arith.constant 0 : i32
      %lt3A_309 = vector.broadcast %lt3A_308 : i32 to vector<16xi32>
      %lt3A_310 = arith.cmpi slt, %broadcast_in_dim3A_307, %lt3A_309 : vector<16xi32>
      %add3A_311 = arith.constant 16 : i32
      %add3A_312 = vector.broadcast %add3A_311 : i32 to vector<16xi32>
      %add3A_313 = arith.addi %broadcast_in_dim3A_307, %add3A_312 : vector<16xi32>
      %select_n3A_314 = arith.select %lt3A_310, %add3A_313, %broadcast_in_dim3A_307 : vector<16xi1>, vector<16xi32>
      %broadcast_in_dim3A_315 = vector.shape_cast %select_n3A_314 : vector<16xi32> to vector<16x1xi32>
      %gather3A_316 = vector.shape_cast %broadcast_in_dim3A_315 : vector<16x1xi32> to vector<16xi32>
      %gather3A_317 = tpu.dynamic_gather %get3A_40[%gather3A_316] in [0] : vector<16xf32>, vector<16xi32> -> vector<16xf32>
      %get3A_318 = arith.constant 10 : i32
      %get3A_319 = arith.index_cast %get3A_318 : i32 to index
      %get3A_320 = arith.index_cast %mul3A_57 : i32 to index
      %get3A_321 = tpu.vector_load %arg11[%get3A_319, %get3A_320] {strides = array<i32>} : memref<32x512xf32, #tpu.memory_space<vmem>>, vector<1x16xf32>,
      %get3A_322 = vector.shape_cast %get3A_321 : vector<1x16xf32> to vector<16xf32>
      %get3A_323 = arith.constant 10 : i32
      %get3A_324 = arith.index_cast %get3A_323 : i32 to index
      %get3A_325 = arith.index_cast %mul3A_57 : i32 to index
      %get3A_326 = tpu.vector_load %arg12[%get3A_324, %get3A_325] {strides = array<i32>} : memref<32x512xf32, #tpu.memory_space<vmem>>, vector<1x16xf32>,
      %get3A_327 = vector.shape_cast %get3A_326 : vector<1x16xf32> to vector<16xf32>
      %mul3A_328 = arith.mulf %get3A_322, %get3A_327 : vector<16xf32>
      %mul3A_329 = arith.mulf %mul3A_328, %gather3A_317 : vector<16xf32>
      %add3A_330 = arith.addf %add3A_305, %mul3A_329 : vector<16xf32>
      %broadcast_in_dim3A_331 = arith.constant 11 : i32
      %broadcast_in_dim3A_332 = vector.broadcast %broadcast_in_dim3A_331 : i32 to vector<16xi32>
      %lt3A_333 = arith.constant 0 : i32
      %lt3A_334 = vector.broadcast %lt3A_333 : i32 to vector<16xi32>
      %lt3A_335 = arith.cmpi slt, %broadcast_in_dim3A_332, %lt3A_334 : vector<16xi32>
      %add3A_336 = arith.constant 16 : i32
      %add3A_337 = vector.broadcast %add3A_336 : i32 to vector<16xi32>
      %add3A_338 = arith.addi %broadcast_in_dim3A_332, %add3A_337 : vector<16xi32>
      %select_n3A_339 = arith.select %lt3A_335, %add3A_338, %broadcast_in_dim3A_332 : vector<16xi1>, vector<16xi32>
      %broadcast_in_dim3A_340 = vector.shape_cast %select_n3A_339 : vector<16xi32> to vector<16x1xi32>
      %gather3A_341 = vector.shape_cast %broadcast_in_dim3A_340 : vector<16x1xi32> to vector<16xi32>
      %gather3A_342 = tpu.dynamic_gather %get3A_40[%gather3A_341] in [0] : vector<16xf32>, vector<16xi32> -> vector<16xf32>
      %get3A_343 = arith.constant 11 : i32
      %get3A_344 = arith.index_cast %get3A_343 : i32 to index
      %get3A_345 = arith.index_cast %mul3A_57 : i32 to index
      %get3A_346 = tpu.vector_load %arg11[%get3A_344, %get3A_345] {strides = array<i32>} : memref<32x512xf32, #tpu.memory_space<vmem>>, vector<1x16xf32>,
      %get3A_347 = vector.shape_cast %get3A_346 : vector<1x16xf32> to vector<16xf32>
      %get3A_348 = arith.constant 11 : i32
      %get3A_349 = arith.index_cast %get3A_348 : i32 to index
      %get3A_350 = arith.index_cast %mul3A_57 : i32 to index
      %get3A_351 = tpu.vector_load %arg12[%get3A_349, %get3A_350] {strides = array<i32>} : memref<32x512xf32, #tpu.memory_space<vmem>>, vector<1x16xf32>,
      %get3A_352 = vector.shape_cast %get3A_351 : vector<1x16xf32> to vector<16xf32>
      %mul3A_353 = arith.mulf %get3A_347, %get3A_352 : vector<16xf32>
      %mul3A_354 = arith.mulf %mul3A_353, %gather3A_342 : vector<16xf32>
      %add3A_355 = arith.addf %add3A_330, %mul3A_354 : vector<16xf32>
      %broadcast_in_dim3A_356 = arith.constant 12 : i32
      %broadcast_in_dim3A_357 = vector.broadcast %broadcast_in_dim3A_356 : i32 to vector<16xi32>
      %lt3A_358 = arith.constant 0 : i32
      %lt3A_359 = vector.broadcast %lt3A_358 : i32 to vector<16xi32>
      %lt3A_360 = arith.cmpi slt, %broadcast_in_dim3A_357, %lt3A_359 : vector<16xi32>
      %add3A_361 = arith.constant 16 : i32
      %add3A_362 = vector.broadcast %add3A_361 : i32 to vector<16xi32>
      %add3A_363 = arith.addi %broadcast_in_dim3A_357, %add3A_362 : vector<16xi32>
      %select_n3A_364 = arith.select %lt3A_360, %add3A_363, %broadcast_in_dim3A_357 : vector<16xi1>, vector<16xi32>
      %broadcast_in_dim3A_365 = vector.shape_cast %select_n3A_364 : vector<16xi32> to vector<16x1xi32>
      %gather3A_366 = vector.shape_cast %broadcast_in_dim3A_365 : vector<16x1xi32> to vector<16xi32>
      %gather3A_367 = tpu.dynamic_gather %get3A_40[%gather3A_366] in [0] : vector<16xf32>, vector<16xi32> -> vector<16xf32>
      %get3A_368 = arith.constant 12 : i32
      %get3A_369 = arith.index_cast %get3A_368 : i32 to index
      %get3A_370 = arith.index_cast %mul3A_57 : i32 to index
      %get3A_371 = tpu.vector_load %arg11[%get3A_369, %get3A_370] {strides = array<i32>} : memref<32x512xf32, #tpu.memory_space<vmem>>, vector<1x16xf32>,
      %get3A_372 = vector.shape_cast %get3A_371 : vector<1x16xf32> to vector<16xf32>
      %get3A_373 = arith.constant 12 : i32
      %get3A_374 = arith.index_cast %get3A_373 : i32 to index
      %get3A_375 = arith.index_cast %mul3A_57 : i32 to index
      %get3A_376 = tpu.vector_load %arg12[%get3A_374, %get3A_375] {strides = array<i32>} : memref<32x512xf32, #tpu.memory_space<vmem>>, vector<1x16xf32>,
      %get3A_377 = vector.shape_cast %get3A_376 : vector<1x16xf32> to vector<16xf32>
      %mul3A_378 = arith.mulf %get3A_372, %get3A_377 : vector<16xf32>
      %mul3A_379 = arith.mulf %mul3A_378, %gather3A_367 : vector<16xf32>
      %add3A_380 = arith.addf %add3A_355, %mul3A_379 : vector<16xf32>
      %broadcast_in_dim3A_381 = arith.constant 13 : i32
      %broadcast_in_dim3A_382 = vector.broadcast %broadcast_in_dim3A_381 : i32 to vector<16xi32>
      %lt3A_383 = arith.constant 0 : i32
      %lt3A_384 = vector.broadcast %lt3A_383 : i32 to vector<16xi32>
      %lt3A_385 = arith.cmpi slt, %broadcast_in_dim3A_382, %lt3A_384 : vector<16xi32>
      %add3A_386 = arith.constant 16 : i32
      %add3A_387 = vector.broadcast %add3A_386 : i32 to vector<16xi32>
      %add3A_388 = arith.addi %broadcast_in_dim3A_382, %add3A_387 : vector<16xi32>
      %select_n3A_389 = arith.select %lt3A_385, %add3A_388, %broadcast_in_dim3A_382 : vector<16xi1>, vector<16xi32>
      %broadcast_in_dim3A_390 = vector.shape_cast %select_n3A_389 : vector<16xi32> to vector<16x1xi32>
      %gather3A_391 = vector.shape_cast %broadcast_in_dim3A_390 : vector<16x1xi32> to vector<16xi32>
      %gather3A_392 = tpu.dynamic_gather %get3A_40[%gather3A_391] in [0] : vector<16xf32>, vector<16xi32> -> vector<16xf32>
      %get3A_393 = arith.constant 13 : i32
      %get3A_394 = arith.index_cast %get3A_393 : i32 to index
      %get3A_395 = arith.index_cast %mul3A_57 : i32 to index
      %get3A_396 = tpu.vector_load %arg11[%get3A_394, %get3A_395] {strides = array<i32>} : memref<32x512xf32, #tpu.memory_space<vmem>>, vector<1x16xf32>,
      %get3A_397 = vector.shape_cast %get3A_396 : vector<1x16xf32> to vector<16xf32>
      %get3A_398 = arith.constant 13 : i32
      %get3A_399 = arith.index_cast %get3A_398 : i32 to index
      %get3A_400 = arith.index_cast %mul3A_57 : i32 to index
      %get3A_401 = tpu.vector_load %arg12[%get3A_399, %get3A_400] {strides = array<i32>} : memref<32x512xf32, #tpu.memory_space<vmem>>, vector<1x16xf32>,
      %get3A_402 = vector.shape_cast %get3A_401 : vector<1x16xf32> to vector<16xf32>
      %mul3A_403 = arith.mulf %get3A_397, %get3A_402 : vector<16xf32>
      %mul3A_404 = arith.mulf %mul3A_403, %gather3A_392 : vector<16xf32>
      %add3A_405 = arith.addf %add3A_380, %mul3A_404 : vector<16xf32>
      %broadcast_in_dim3A_406 = arith.constant 14 : i32
      %broadcast_in_dim3A_407 = vector.broadcast %broadcast_in_dim3A_406 : i32 to vector<16xi32>
      %lt3A_408 = arith.constant 0 : i32
      %lt3A_409 = vector.broadcast %lt3A_408 : i32 to vector<16xi32>
      %lt3A_410 = arith.cmpi slt, %broadcast_in_dim3A_407, %lt3A_409 : vector<16xi32>
      %add3A_411 = arith.constant 16 : i32
      %add3A_412 = vector.broadcast %add3A_411 : i32 to vector<16xi32>
      %add3A_413 = arith.addi %broadcast_in_dim3A_407, %add3A_412 : vector<16xi32>
      %select_n3A_414 = arith.select %lt3A_410, %add3A_413, %broadcast_in_dim3A_407 : vector<16xi1>, vector<16xi32>
      %broadcast_in_dim3A_415 = vector.shape_cast %select_n3A_414 : vector<16xi32> to vector<16x1xi32>
      %gather3A_416 = vector.shape_cast %broadcast_in_dim3A_415 : vector<16x1xi32> to vector<16xi32>
      %gather3A_417 = tpu.dynamic_gather %get3A_40[%gather3A_416] in [0] : vector<16xf32>, vector<16xi32> -> vector<16xf32>
      %get3A_418 = arith.constant 14 : i32
      %get3A_419 = arith.index_cast %get3A_418 : i32 to index
      %get3A_420 = arith.index_cast %mul3A_57 : i32 to index
      %get3A_421 = tpu.vector_load %arg11[%get3A_419, %get3A_420] {strides = array<i32>} : memref<32x512xf32, #tpu.memory_space<vmem>>, vector<1x16xf32>,
      %get3A_422 = vector.shape_cast %get3A_421 : vector<1x16xf32> to vector<16xf32>
      %get3A_423 = arith.constant 14 : i32
      %get3A_424 = arith.index_cast %get3A_423 : i32 to index
      %get3A_425 = arith.index_cast %mul3A_57 : i32 to index
      %get3A_426 = tpu.vector_load %arg12[%get3A_424, %get3A_425] {strides = array<i32>} : memref<32x512xf32, #tpu.memory_space<vmem>>, vector<1x16xf32>,
      %get3A_427 = vector.shape_cast %get3A_426 : vector<1x16xf32> to vector<16xf32>
      %mul3A_428 = arith.mulf %get3A_422, %get3A_427 : vector<16xf32>
      %mul3A_429 = arith.mulf %mul3A_428, %gather3A_417 : vector<16xf32>
      %add3A_430 = arith.addf %add3A_405, %mul3A_429 : vector<16xf32>
      %broadcast_in_dim3A_431 = arith.constant 15 : i32
      %broadcast_in_dim3A_432 = vector.broadcast %broadcast_in_dim3A_431 : i32 to vector<16xi32>
      %lt3A_433 = arith.constant 0 : i32
      %lt3A_434 = vector.broadcast %lt3A_433 : i32 to vector<16xi32>
      %lt3A_435 = arith.cmpi slt, %broadcast_in_dim3A_432, %lt3A_434 : vector<16xi32>
      %add3A_436 = arith.constant 16 : i32
      %add3A_437 = vector.broadcast %add3A_436 : i32 to vector<16xi32>
      %add3A_438 = arith.addi %broadcast_in_dim3A_432, %add3A_437 : vector<16xi32>
      %select_n3A_439 = arith.select %lt3A_435, %add3A_438, %broadcast_in_dim3A_432 : vector<16xi1>, vector<16xi32>
      %broadcast_in_dim3A_440 = vector.shape_cast %select_n3A_439 : vector<16xi32> to vector<16x1xi32>
      %gather3A_441 = vector.shape_cast %broadcast_in_dim3A_440 : vector<16x1xi32> to vector<16xi32>
      %gather3A_442 = tpu.dynamic_gather %get3A_40[%gather3A_441] in [0] : vector<16xf32>, vector<16xi32> -> vector<16xf32>
      %get3A_443 = arith.constant 15 : i32
      %get3A_444 = arith.index_cast %get3A_443 : i32 to index
      %get3A_445 = arith.index_cast %mul3A_57 : i32 to index
      %get3A_446 = tpu.vector_load %arg11[%get3A_444, %get3A_445] {strides = array<i32>} : memref<32x512xf32, #tpu.memory_space<vmem>>, vector<1x16xf32>,
      %get3A_447 = vector.shape_cast %get3A_446 : vector<1x16xf32> to vector<16xf32>
      %get3A_448 = arith.constant 15 : i32
      %get3A_449 = arith.index_cast %get3A_448 : i32 to index
      %get3A_450 = arith.index_cast %mul3A_57 : i32 to index
      %get3A_451 = tpu.vector_load %arg12[%get3A_449, %get3A_450] {strides = array<i32>} : memref<32x512xf32, #tpu.memory_space<vmem>>, vector<1x16xf32>,
      %get3A_452 = vector.shape_cast %get3A_451 : vector<1x16xf32> to vector<16xf32>
      %mul3A_453 = arith.mulf %get3A_447, %get3A_452 : vector<16xf32>
      %mul3A_454 = arith.mulf %mul3A_453, %gather3A_442 : vector<16xf32>
      %add3A_455 = arith.addf %add3A_430, %mul3A_454 : vector<16xf32>
      %broadcast_in_dim3A_456 = arith.constant 0 : i32
      %broadcast_in_dim3A_457 = vector.broadcast %broadcast_in_dim3A_456 : i32 to vector<16xi32>
      %lt3A_458 = arith.constant 0 : i32
      %lt3A_459 = vector.broadcast %lt3A_458 : i32 to vector<16xi32>
      %lt3A_460 = arith.cmpi slt, %broadcast_in_dim3A_457, %lt3A_459 : vector<16xi32>
      %add3A_461 = arith.constant 16 : i32
      %add3A_462 = vector.broadcast %add3A_461 : i32 to vector<16xi32>
      %add3A_463 = arith.addi %broadcast_in_dim3A_457, %add3A_462 : vector<16xi32>
      %select_n3A_464 = arith.select %lt3A_460, %add3A_463, %broadcast_in_dim3A_457 : vector<16xi1>, vector<16xi32>
      %broadcast_in_dim3A_465 = vector.shape_cast %select_n3A_464 : vector<16xi32> to vector<16x1xi32>
      %gather3A_466 = vector.shape_cast %broadcast_in_dim3A_465 : vector<16x1xi32> to vector<16xi32>
      %gather3A_467 = tpu.dynamic_gather %get3A_43[%gather3A_466] in [0] : vector<16xf32>, vector<16xi32> -> vector<16xf32>
      %get3A_468 = arith.constant 16 : i32
      %get3A_469 = arith.index_cast %get3A_468 : i32 to index
      %get3A_470 = arith.index_cast %mul3A_57 : i32 to index
      %get3A_471 = tpu.vector_load %arg11[%get3A_469, %get3A_470] {strides = array<i32>} : memref<32x512xf32, #tpu.memory_space<vmem>>, vector<1x16xf32>,
      %get3A_472 = vector.shape_cast %get3A_471 : vector<1x16xf32> to vector<16xf32>
      %get3A_473 = arith.constant 16 : i32
      %get3A_474 = arith.index_cast %get3A_473 : i32 to index
      %get3A_475 = arith.index_cast %mul3A_57 : i32 to index
      %get3A_476 = tpu.vector_load %arg12[%get3A_474, %get3A_475] {strides = array<i32>} : memref<32x512xf32, #tpu.memory_space<vmem>>, vector<1x16xf32>,
      %get3A_477 = vector.shape_cast %get3A_476 : vector<1x16xf32> to vector<16xf32>
      %mul3A_478 = arith.mulf %get3A_472, %get3A_477 : vector<16xf32>
      %mul3A_479 = arith.mulf %mul3A_478, %gather3A_467 : vector<16xf32>
      %add3A_480 = arith.addf %add3A_455, %mul3A_479 : vector<16xf32>
      %broadcast_in_dim3A_481 = arith.constant 1 : i32
      %broadcast_in_dim3A_482 = vector.broadcast %broadcast_in_dim3A_481 : i32 to vector<16xi32>
      %lt3A_483 = arith.constant 0 : i32
      %lt3A_484 = vector.broadcast %lt3A_483 : i32 to vector<16xi32>
      %lt3A_485 = arith.cmpi slt, %broadcast_in_dim3A_482, %lt3A_484 : vector<16xi32>
      %add3A_486 = arith.constant 16 : i32
      %add3A_487 = vector.broadcast %add3A_486 : i32 to vector<16xi32>
      %add3A_488 = arith.addi %broadcast_in_dim3A_482, %add3A_487 : vector<16xi32>
      %select_n3A_489 = arith.select %lt3A_485, %add3A_488, %broadcast_in_dim3A_482 : vector<16xi1>, vector<16xi32>
      %broadcast_in_dim3A_490 = vector.shape_cast %select_n3A_489 : vector<16xi32> to vector<16x1xi32>
      %gather3A_491 = vector.shape_cast %broadcast_in_dim3A_490 : vector<16x1xi32> to vector<16xi32>
      %gather3A_492 = tpu.dynamic_gather %get3A_43[%gather3A_491] in [0] : vector<16xf32>, vector<16xi32> -> vector<16xf32>
      %get3A_493 = arith.constant 17 : i32
      %get3A_494 = arith.index_cast %get3A_493 : i32 to index
      %get3A_495 = arith.index_cast %mul3A_57 : i32 to index
      %get3A_496 = tpu.vector_load %arg11[%get3A_494, %get3A_495] {strides = array<i32>} : memref<32x512xf32, #tpu.memory_space<vmem>>, vector<1x16xf32>,
      %get3A_497 = vector.shape_cast %get3A_496 : vector<1x16xf32> to vector<16xf32>
      %get3A_498 = arith.constant 17 : i32
      %get3A_499 = arith.index_cast %get3A_498 : i32 to index
      %get3A_500 = arith.index_cast %mul3A_57 : i32 to index
      %get3A_501 = tpu.vector_load %arg12[%get3A_499, %get3A_500] {strides = array<i32>} : memref<32x512xf32, #tpu.memory_space<vmem>>, vector<1x16xf32>,
      %get3A_502 = vector.shape_cast %get3A_501 : vector<1x16xf32> to vector<16xf32>
      %mul3A_503 = arith.mulf %get3A_497, %get3A_502 : vector<16xf32>
      %mul3A_504 = arith.mulf %mul3A_503, %gather3A_492 : vector<16xf32>
      %add3A_505 = arith.addf %add3A_480, %mul3A_504 : vector<16xf32>
      %broadcast_in_dim3A_506 = arith.constant 2 : i32
      %broadcast_in_dim3A_507 = vector.broadcast %broadcast_in_dim3A_506 : i32 to vector<16xi32>
      %lt3A_508 = arith.constant 0 : i32
      %lt3A_509 = vector.broadcast %lt3A_508 : i32 to vector<16xi32>
      %lt3A_510 = arith.cmpi slt, %broadcast_in_dim3A_507, %lt3A_509 : vector<16xi32>
      %add3A_511 = arith.constant 16 : i32
      %add3A_512 = vector.broadcast %add3A_511 : i32 to vector<16xi32>
      %add3A_513 = arith.addi %broadcast_in_dim3A_507, %add3A_512 : vector<16xi32>
      %select_n3A_514 = arith.select %lt3A_510, %add3A_513, %broadcast_in_dim3A_507 : vector<16xi1>, vector<16xi32>
      %broadcast_in_dim3A_515 = vector.shape_cast %select_n3A_514 : vector<16xi32> to vector<16x1xi32>
      %gather3A_516 = vector.shape_cast %broadcast_in_dim3A_515 : vector<16x1xi32> to vector<16xi32>
      %gather3A_517 = tpu.dynamic_gather %get3A_43[%gather3A_516] in [0] : vector<16xf32>, vector<16xi32> -> vector<16xf32>
      %get3A_518 = arith.constant 18 : i32
      %get3A_519 = arith.index_cast %get3A_518 : i32 to index
      %get3A_520 = arith.index_cast %mul3A_57 : i32 to index
      %get3A_521 = tpu.vector_load %arg11[%get3A_519, %get3A_520] {strides = array<i32>} : memref<32x512xf32, #tpu.memory_space<vmem>>, vector<1x16xf32>,
      %get3A_522 = vector.shape_cast %get3A_521 : vector<1x16xf32> to vector<16xf32>
      %get3A_523 = arith.constant 18 : i32
      %get3A_524 = arith.index_cast %get3A_523 : i32 to index
      %get3A_525 = arith.index_cast %mul3A_57 : i32 to index
      %get3A_526 = tpu.vector_load %arg12[%get3A_524, %get3A_525] {strides = array<i32>} : memref<32x512xf32, #tpu.memory_space<vmem>>, vector<1x16xf32>,
      %get3A_527 = vector.shape_cast %get3A_526 : vector<1x16xf32> to vector<16xf32>
      %mul3A_528 = arith.mulf %get3A_522, %get3A_527 : vector<16xf32>
      %mul3A_529 = arith.mulf %mul3A_528, %gather3A_517 : vector<16xf32>
      %add3A_530 = arith.addf %add3A_505, %mul3A_529 : vector<16xf32>
      %broadcast_in_dim3A_531 = arith.constant 3 : i32
      %broadcast_in_dim3A_532 = vector.broadcast %broadcast_in_dim3A_531 : i32 to vector<16xi32>
      %lt3A_533 = arith.constant 0 : i32
      %lt3A_534 = vector.broadcast %lt3A_533 : i32 to vector<16xi32>
      %lt3A_535 = arith.cmpi slt, %broadcast_in_dim3A_532, %lt3A_534 : vector<16xi32>
      %add3A_536 = arith.constant 16 : i32
      %add3A_537 = vector.broadcast %add3A_536 : i32 to vector<16xi32>
      %add3A_538 = arith.addi %broadcast_in_dim3A_532, %add3A_537 : vector<16xi32>
      %select_n3A_539 = arith.select %lt3A_535, %add3A_538, %broadcast_in_dim3A_532 : vector<16xi1>, vector<16xi32>
      %broadcast_in_dim3A_540 = vector.shape_cast %select_n3A_539 : vector<16xi32> to vector<16x1xi32>
      %gather3A_541 = vector.shape_cast %broadcast_in_dim3A_540 : vector<16x1xi32> to vector<16xi32>
      %gather3A_542 = tpu.dynamic_gather %get3A_43[%gather3A_541] in [0] : vector<16xf32>, vector<16xi32> -> vector<16xf32>
      %get3A_543 = arith.constant 19 : i32
      %get3A_544 = arith.index_cast %get3A_543 : i32 to index
      %get3A_545 = arith.index_cast %mul3A_57 : i32 to index
      %get3A_546 = tpu.vector_load %arg11[%get3A_544, %get3A_545] {strides = array<i32>} : memref<32x512xf32, #tpu.memory_space<vmem>>, vector<1x16xf32>,
      %get3A_547 = vector.shape_cast %get3A_546 : vector<1x16xf32> to vector<16xf32>
      %get3A_548 = arith.constant 19 : i32
      %get3A_549 = arith.index_cast %get3A_548 : i32 to index
      %get3A_550 = arith.index_cast %mul3A_57 : i32 to index
      %get3A_551 = tpu.vector_load %arg12[%get3A_549, %get3A_550] {strides = array<i32>} : memref<32x512xf32, #tpu.memory_space<vmem>>, vector<1x16xf32>,
      %get3A_552 = vector.shape_cast %get3A_551 : vector<1x16xf32> to vector<16xf32>
      %mul3A_553 = arith.mulf %get3A_547, %get3A_552 : vector<16xf32>
      %mul3A_554 = arith.mulf %mul3A_553, %gather3A_542 : vector<16xf32>
      %add3A_555 = arith.addf %add3A_530, %mul3A_554 : vector<16xf32>
      %broadcast_in_dim3A_556 = arith.constant 4 : i32
      %broadcast_in_dim3A_557 = vector.broadcast %broadcast_in_dim3A_556 : i32 to vector<16xi32>
      %lt3A_558 = arith.constant 0 : i32
      %lt3A_559 = vector.broadcast %lt3A_558 : i32 to vector<16xi32>
      %lt3A_560 = arith.cmpi slt, %broadcast_in_dim3A_557, %lt3A_559 : vector<16xi32>
      %add3A_561 = arith.constant 16 : i32
      %add3A_562 = vector.broadcast %add3A_561 : i32 to vector<16xi32>
      %add3A_563 = arith.addi %broadcast_in_dim3A_557, %add3A_562 : vector<16xi32>
      %select_n3A_564 = arith.select %lt3A_560, %add3A_563, %broadcast_in_dim3A_557 : vector<16xi1>, vector<16xi32>
      %broadcast_in_dim3A_565 = vector.shape_cast %select_n3A_564 : vector<16xi32> to vector<16x1xi32>
      %gather3A_566 = vector.shape_cast %broadcast_in_dim3A_565 : vector<16x1xi32> to vector<16xi32>
      %gather3A_567 = tpu.dynamic_gather %get3A_43[%gather3A_566] in [0] : vector<16xf32>, vector<16xi32> -> vector<16xf32>
      %get3A_568 = arith.constant 20 : i32
      %get3A_569 = arith.index_cast %get3A_568 : i32 to index
      %get3A_570 = arith.index_cast %mul3A_57 : i32 to index
      %get3A_571 = tpu.vector_load %arg11[%get3A_569, %get3A_570] {strides = array<i32>} : memref<32x512xf32, #tpu.memory_space<vmem>>, vector<1x16xf32>,
      %get3A_572 = vector.shape_cast %get3A_571 : vector<1x16xf32> to vector<16xf32>
      %get3A_573 = arith.constant 20 : i32
      %get3A_574 = arith.index_cast %get3A_573 : i32 to index
      %get3A_575 = arith.index_cast %mul3A_57 : i32 to index
      %get3A_576 = tpu.vector_load %arg12[%get3A_574, %get3A_575] {strides = array<i32>} : memref<32x512xf32, #tpu.memory_space<vmem>>, vector<1x16xf32>,
      %get3A_577 = vector.shape_cast %get3A_576 : vector<1x16xf32> to vector<16xf32>
      %mul3A_578 = arith.mulf %get3A_572, %get3A_577 : vector<16xf32>
      %mul3A_579 = arith.mulf %mul3A_578, %gather3A_567 : vector<16xf32>
      %add3A_580 = arith.addf %add3A_555, %mul3A_579 : vector<16xf32>
      %broadcast_in_dim3A_581 = arith.constant 5 : i32
      %broadcast_in_dim3A_582 = vector.broadcast %broadcast_in_dim3A_581 : i32 to vector<16xi32>
      %lt3A_583 = arith.constant 0 : i32
      %lt3A_584 = vector.broadcast %lt3A_583 : i32 to vector<16xi32>
      %lt3A_585 = arith.cmpi slt, %broadcast_in_dim3A_582, %lt3A_584 : vector<16xi32>
      %add3A_586 = arith.constant 16 : i32
      %add3A_587 = vector.broadcast %add3A_586 : i32 to vector<16xi32>
      %add3A_588 = arith.addi %broadcast_in_dim3A_582, %add3A_587 : vector<16xi32>
      %select_n3A_589 = arith.select %lt3A_585, %add3A_588, %broadcast_in_dim3A_582 : vector<16xi1>, vector<16xi32>
      %broadcast_in_dim3A_590 = vector.shape_cast %select_n3A_589 : vector<16xi32> to vector<16x1xi32>
      %gather3A_591 = vector.shape_cast %broadcast_in_dim3A_590 : vector<16x1xi32> to vector<16xi32>
      %gather3A_592 = tpu.dynamic_gather %get3A_43[%gather3A_591] in [0] : vector<16xf32>, vector<16xi32> -> vector<16xf32>
      %get3A_593 = arith.constant 21 : i32
      %get3A_594 = arith.index_cast %get3A_593 : i32 to index
      %get3A_595 = arith.index_cast %mul3A_57 : i32 to index
      %get3A_596 = tpu.vector_load %arg11[%get3A_594, %get3A_595] {strides = array<i32>} : memref<32x512xf32, #tpu.memory_space<vmem>>, vector<1x16xf32>,
      %get3A_597 = vector.shape_cast %get3A_596 : vector<1x16xf32> to vector<16xf32>
      %get3A_598 = arith.constant 21 : i32
      %get3A_599 = arith.index_cast %get3A_598 : i32 to index
      %get3A_600 = arith.index_cast %mul3A_57 : i32 to index
      %get3A_601 = tpu.vector_load %arg12[%get3A_599, %get3A_600] {strides = array<i32>} : memref<32x512xf32, #tpu.memory_space<vmem>>, vector<1x16xf32>,
      %get3A_602 = vector.shape_cast %get3A_601 : vector<1x16xf32> to vector<16xf32>
      %mul3A_603 = arith.mulf %get3A_597, %get3A_602 : vector<16xf32>
      %mul3A_604 = arith.mulf %mul3A_603, %gather3A_592 : vector<16xf32>
      %add3A_605 = arith.addf %add3A_580, %mul3A_604 : vector<16xf32>
      %broadcast_in_dim3A_606 = arith.constant 6 : i32
      %broadcast_in_dim3A_607 = vector.broadcast %broadcast_in_dim3A_606 : i32 to vector<16xi32>
      %lt3A_608 = arith.constant 0 : i32
      %lt3A_609 = vector.broadcast %lt3A_608 : i32 to vector<16xi32>
      %lt3A_610 = arith.cmpi slt, %broadcast_in_dim3A_607, %lt3A_609 : vector<16xi32>
      %add3A_611 = arith.constant 16 : i32
      %add3A_612 = vector.broadcast %add3A_611 : i32 to vector<16xi32>
      %add3A_613 = arith.addi %broadcast_in_dim3A_607, %add3A_612 : vector<16xi32>
      %select_n3A_614 = arith.select %lt3A_610, %add3A_613, %broadcast_in_dim3A_607 : vector<16xi1>, vector<16xi32>
      %broadcast_in_dim3A_615 = vector.shape_cast %select_n3A_614 : vector<16xi32> to vector<16x1xi32>
      %gather3A_616 = vector.shape_cast %broadcast_in_dim3A_615 : vector<16x1xi32> to vector<16xi32>
      %gather3A_617 = tpu.dynamic_gather %get3A_43[%gather3A_616] in [0] : vector<16xf32>, vector<16xi32> -> vector<16xf32>
      %get3A_618 = arith.constant 22 : i32
      %get3A_619 = arith.index_cast %get3A_618 : i32 to index
      %get3A_620 = arith.index_cast %mul3A_57 : i32 to index
      %get3A_621 = tpu.vector_load %arg11[%get3A_619, %get3A_620] {strides = array<i32>} : memref<32x512xf32, #tpu.memory_space<vmem>>, vector<1x16xf32>,
      %get3A_622 = vector.shape_cast %get3A_621 : vector<1x16xf32> to vector<16xf32>
      %get3A_623 = arith.constant 22 : i32
      %get3A_624 = arith.index_cast %get3A_623 : i32 to index
      %get3A_625 = arith.index_cast %mul3A_57 : i32 to index
      %get3A_626 = tpu.vector_load %arg12[%get3A_624, %get3A_625] {strides = array<i32>} : memref<32x512xf32, #tpu.memory_space<vmem>>, vector<1x16xf32>,
      %get3A_627 = vector.shape_cast %get3A_626 : vector<1x16xf32> to vector<16xf32>
      %mul3A_628 = arith.mulf %get3A_622, %get3A_627 : vector<16xf32>
      %mul3A_629 = arith.mulf %mul3A_628, %gather3A_617 : vector<16xf32>
      %add3A_630 = arith.addf %add3A_605, %mul3A_629 : vector<16xf32>
      %broadcast_in_dim3A_631 = arith.constant 7 : i32
      %broadcast_in_dim3A_632 = vector.broadcast %broadcast_in_dim3A_631 : i32 to vector<16xi32>
      %lt3A_633 = arith.constant 0 : i32
      %lt3A_634 = vector.broadcast %lt3A_633 : i32 to vector<16xi32>
      %lt3A_635 = arith.cmpi slt, %broadcast_in_dim3A_632, %lt3A_634 : vector<16xi32>
      %add3A_636 = arith.constant 16 : i32
      %add3A_637 = vector.broadcast %add3A_636 : i32 to vector<16xi32>
      %add3A_638 = arith.addi %broadcast_in_dim3A_632, %add3A_637 : vector<16xi32>
      %select_n3A_639 = arith.select %lt3A_635, %add3A_638, %broadcast_in_dim3A_632 : vector<16xi1>, vector<16xi32>
      %broadcast_in_dim3A_640 = vector.shape_cast %select_n3A_639 : vector<16xi32> to vector<16x1xi32>
      %gather3A_641 = vector.shape_cast %broadcast_in_dim3A_640 : vector<16x1xi32> to vector<16xi32>
      %gather3A_642 = tpu.dynamic_gather %get3A_43[%gather3A_641] in [0] : vector<16xf32>, vector<16xi32> -> vector<16xf32>
      %get3A_643 = arith.constant 23 : i32
      %get3A_644 = arith.index_cast %get3A_643 : i32 to index
      %get3A_645 = arith.index_cast %mul3A_57 : i32 to index
      %get3A_646 = tpu.vector_load %arg11[%get3A_644, %get3A_645] {strides = array<i32>} : memref<32x512xf32, #tpu.memory_space<vmem>>, vector<1x16xf32>,
      %get3A_647 = vector.shape_cast %get3A_646 : vector<1x16xf32> to vector<16xf32>
      %get3A_648 = arith.constant 23 : i32
      %get3A_649 = arith.index_cast %get3A_648 : i32 to index
      %get3A_650 = arith.index_cast %mul3A_57 : i32 to index
      %get3A_651 = tpu.vector_load %arg12[%get3A_649, %get3A_650] {strides = array<i32>} : memref<32x512xf32, #tpu.memory_space<vmem>>, vector<1x16xf32>,
      %get3A_652 = vector.shape_cast %get3A_651 : vector<1x16xf32> to vector<16xf32>
      %mul3A_653 = arith.mulf %get3A_647, %get3A_652 : vector<16xf32>
      %mul3A_654 = arith.mulf %mul3A_653, %gather3A_642 : vector<16xf32>
      %add3A_655 = arith.addf %add3A_630, %mul3A_654 : vector<16xf32>
      %broadcast_in_dim3A_656 = arith.constant 8 : i32
      %broadcast_in_dim3A_657 = vector.broadcast %broadcast_in_dim3A_656 : i32 to vector<16xi32>
      %lt3A_658 = arith.constant 0 : i32
      %lt3A_659 = vector.broadcast %lt3A_658 : i32 to vector<16xi32>
      %lt3A_660 = arith.cmpi slt, %broadcast_in_dim3A_657, %lt3A_659 : vector<16xi32>
      %add3A_661 = arith.constant 16 : i32
      %add3A_662 = vector.broadcast %add3A_661 : i32 to vector<16xi32>
      %add3A_663 = arith.addi %broadcast_in_dim3A_657, %add3A_662 : vector<16xi32>
      %select_n3A_664 = arith.select %lt3A_660, %add3A_663, %broadcast_in_dim3A_657 : vector<16xi1>, vector<16xi32>
      %broadcast_in_dim3A_665 = vector.shape_cast %select_n3A_664 : vector<16xi32> to vector<16x1xi32>
      %gather3A_666 = vector.shape_cast %broadcast_in_dim3A_665 : vector<16x1xi32> to vector<16xi32>
      %gather3A_667 = tpu.dynamic_gather %get3A_43[%gather3A_666] in [0] : vector<16xf32>, vector<16xi32> -> vector<16xf32>
      %get3A_668 = arith.constant 24 : i32
      %get3A_669 = arith.index_cast %get3A_668 : i32 to index
      %get3A_670 = arith.index_cast %mul3A_57 : i32 to index
      %get3A_671 = tpu.vector_load %arg11[%get3A_669, %get3A_670] {strides = array<i32>} : memref<32x512xf32, #tpu.memory_space<vmem>>, vector<1x16xf32>,
      %get3A_672 = vector.shape_cast %get3A_671 : vector<1x16xf32> to vector<16xf32>
      %get3A_673 = arith.constant 24 : i32
      %get3A_674 = arith.index_cast %get3A_673 : i32 to index
      %get3A_675 = arith.index_cast %mul3A_57 : i32 to index
      %get3A_676 = tpu.vector_load %arg12[%get3A_674, %get3A_675] {strides = array<i32>} : memref<32x512xf32, #tpu.memory_space<vmem>>, vector<1x16xf32>,
      %get3A_677 = vector.shape_cast %get3A_676 : vector<1x16xf32> to vector<16xf32>
      %mul3A_678 = arith.mulf %get3A_672, %get3A_677 : vector<16xf32>
      %mul3A_679 = arith.mulf %mul3A_678, %gather3A_667 : vector<16xf32>
      %add3A_680 = arith.addf %add3A_655, %mul3A_679 : vector<16xf32>
      %broadcast_in_dim3A_681 = arith.constant 9 : i32
      %broadcast_in_dim3A_682 = vector.broadcast %broadcast_in_dim3A_681 : i32 to vector<16xi32>
      %lt3A_683 = arith.constant 0 : i32
      %lt3A_684 = vector.broadcast %lt3A_683 : i32 to vector<16xi32>
      %lt3A_685 = arith.cmpi slt, %broadcast_in_dim3A_682, %lt3A_684 : vector<16xi32>
      %add3A_686 = arith.constant 16 : i32
      %add3A_687 = vector.broadcast %add3A_686 : i32 to vector<16xi32>
      %add3A_688 = arith.addi %broadcast_in_dim3A_682, %add3A_687 : vector<16xi32>
      %select_n3A_689 = arith.select %lt3A_685, %add3A_688, %broadcast_in_dim3A_682 : vector<16xi1>, vector<16xi32>
      %broadcast_in_dim3A_690 = vector.shape_cast %select_n3A_689 : vector<16xi32> to vector<16x1xi32>
      %gather3A_691 = vector.shape_cast %broadcast_in_dim3A_690 : vector<16x1xi32> to vector<16xi32>
      %gather3A_692 = tpu.dynamic_gather %get3A_43[%gather3A_691] in [0] : vector<16xf32>, vector<16xi32> -> vector<16xf32>
      %get3A_693 = arith.constant 25 : i32
      %get3A_694 = arith.index_cast %get3A_693 : i32 to index
      %get3A_695 = arith.index_cast %mul3A_57 : i32 to index
      %get3A_696 = tpu.vector_load %arg11[%get3A_694, %get3A_695] {strides = array<i32>} : memref<32x512xf32, #tpu.memory_space<vmem>>, vector<1x16xf32>,
      %get3A_697 = vector.shape_cast %get3A_696 : vector<1x16xf32> to vector<16xf32>
      %get3A_698 = arith.constant 25 : i32
      %get3A_699 = arith.index_cast %get3A_698 : i32 to index
      %get3A_700 = arith.index_cast %mul3A_57 : i32 to index
      %get3A_701 = tpu.vector_load %arg12[%get3A_699, %get3A_700] {strides = array<i32>} : memref<32x512xf32, #tpu.memory_space<vmem>>, vector<1x16xf32>,
      %get3A_702 = vector.shape_cast %get3A_701 : vector<1x16xf32> to vector<16xf32>
      %mul3A_703 = arith.mulf %get3A_697, %get3A_702 : vector<16xf32>
      %mul3A_704 = arith.mulf %mul3A_703, %gather3A_692 : vector<16xf32>
      %add3A_705 = arith.addf %add3A_680, %mul3A_704 : vector<16xf32>
      %broadcast_in_dim3A_706 = arith.constant 10 : i32
      %broadcast_in_dim3A_707 = vector.broadcast %broadcast_in_dim3A_706 : i32 to vector<16xi32>
      %lt3A_708 = arith.constant 0 : i32
      %lt3A_709 = vector.broadcast %lt3A_708 : i32 to vector<16xi32>
      %lt3A_710 = arith.cmpi slt, %broadcast_in_dim3A_707, %lt3A_709 : vector<16xi32>
      %add3A_711 = arith.constant 16 : i32
      %add3A_712 = vector.broadcast %add3A_711 : i32 to vector<16xi32>
      %add3A_713 = arith.addi %broadcast_in_dim3A_707, %add3A_712 : vector<16xi32>
      %select_n3A_714 = arith.select %lt3A_710, %add3A_713, %broadcast_in_dim3A_707 : vector<16xi1>, vector<16xi32>
      %broadcast_in_dim3A_715 = vector.shape_cast %select_n3A_714 : vector<16xi32> to vector<16x1xi32>
      %gather3A_716 = vector.shape_cast %broadcast_in_dim3A_715 : vector<16x1xi32> to vector<16xi32>
      %gather3A_717 = tpu.dynamic_gather %get3A_43[%gather3A_716] in [0] : vector<16xf32>, vector<16xi32> -> vector<16xf32>
      %get3A_718 = arith.constant 26 : i32
      %get3A_719 = arith.index_cast %get3A_718 : i32 to index
      %get3A_720 = arith.index_cast %mul3A_57 : i32 to index
      %get3A_721 = tpu.vector_load %arg11[%get3A_719, %get3A_720] {strides = array<i32>} : memref<32x512xf32, #tpu.memory_space<vmem>>, vector<1x16xf32>,
      %get3A_722 = vector.shape_cast %get3A_721 : vector<1x16xf32> to vector<16xf32>
      %get3A_723 = arith.constant 26 : i32
      %get3A_724 = arith.index_cast %get3A_723 : i32 to index
      %get3A_725 = arith.index_cast %mul3A_57 : i32 to index
      %get3A_726 = tpu.vector_load %arg12[%get3A_724, %get3A_725] {strides = array<i32>} : memref<32x512xf32, #tpu.memory_space<vmem>>, vector<1x16xf32>,
      %get3A_727 = vector.shape_cast %get3A_726 : vector<1x16xf32> to vector<16xf32>
      %mul3A_728 = arith.mulf %get3A_722, %get3A_727 : vector<16xf32>
      %mul3A_729 = arith.mulf %mul3A_728, %gather3A_717 : vector<16xf32>
      %add3A_730 = arith.addf %add3A_705, %mul3A_729 : vector<16xf32>
      %broadcast_in_dim3A_731 = arith.constant 11 : i32
      %broadcast_in_dim3A_732 = vector.broadcast %broadcast_in_dim3A_731 : i32 to vector<16xi32>
      %lt3A_733 = arith.constant 0 : i32
      %lt3A_734 = vector.broadcast %lt3A_733 : i32 to vector<16xi32>
      %lt3A_735 = arith.cmpi slt, %broadcast_in_dim3A_732, %lt3A_734 : vector<16xi32>
      %add3A_736 = arith.constant 16 : i32
      %add3A_737 = vector.broadcast %add3A_736 : i32 to vector<16xi32>
      %add3A_738 = arith.addi %broadcast_in_dim3A_732, %add3A_737 : vector<16xi32>
      %select_n3A_739 = arith.select %lt3A_735, %add3A_738, %broadcast_in_dim3A_732 : vector<16xi1>, vector<16xi32>
      %broadcast_in_dim3A_740 = vector.shape_cast %select_n3A_739 : vector<16xi32> to vector<16x1xi32>
      %gather3A_741 = vector.shape_cast %broadcast_in_dim3A_740 : vector<16x1xi32> to vector<16xi32>
      %gather3A_742 = tpu.dynamic_gather %get3A_43[%gather3A_741] in [0] : vector<16xf32>, vector<16xi32> -> vector<16xf32>
      %get3A_743 = arith.constant 27 : i32
      %get3A_744 = arith.index_cast %get3A_743 : i32 to index
      %get3A_745 = arith.index_cast %mul3A_57 : i32 to index
      %get3A_746 = tpu.vector_load %arg11[%get3A_744, %get3A_745] {strides = array<i32>} : memref<32x512xf32, #tpu.memory_space<vmem>>, vector<1x16xf32>,
      %get3A_747 = vector.shape_cast %get3A_746 : vector<1x16xf32> to vector<16xf32>
      %get3A_748 = arith.constant 27 : i32
      %get3A_749 = arith.index_cast %get3A_748 : i32 to index
      %get3A_750 = arith.index_cast %mul3A_57 : i32 to index
      %get3A_751 = tpu.vector_load %arg12[%get3A_749, %get3A_750] {strides = array<i32>} : memref<32x512xf32, #tpu.memory_space<vmem>>, vector<1x16xf32>,
      %get3A_752 = vector.shape_cast %get3A_751 : vector<1x16xf32> to vector<16xf32>
      %mul3A_753 = arith.mulf %get3A_747, %get3A_752 : vector<16xf32>
      %mul3A_754 = arith.mulf %mul3A_753, %gather3A_742 : vector<16xf32>
      %add3A_755 = arith.addf %add3A_730, %mul3A_754 : vector<16xf32>
      %broadcast_in_dim3A_756 = arith.constant 12 : i32
      %broadcast_in_dim3A_757 = vector.broadcast %broadcast_in_dim3A_756 : i32 to vector<16xi32>
      %lt3A_758 = arith.constant 0 : i32
      %lt3A_759 = vector.broadcast %lt3A_758 : i32 to vector<16xi32>
      %lt3A_760 = arith.cmpi slt, %broadcast_in_dim3A_757, %lt3A_759 : vector<16xi32>
      %add3A_761 = arith.constant 16 : i32
      %add3A_762 = vector.broadcast %add3A_761 : i32 to vector<16xi32>
      %add3A_763 = arith.addi %broadcast_in_dim3A_757, %add3A_762 : vector<16xi32>
      %select_n3A_764 = arith.select %lt3A_760, %add3A_763, %broadcast_in_dim3A_757 : vector<16xi1>, vector<16xi32>
      %broadcast_in_dim3A_765 = vector.shape_cast %select_n3A_764 : vector<16xi32> to vector<16x1xi32>
      %gather3A_766 = vector.shape_cast %broadcast_in_dim3A_765 : vector<16x1xi32> to vector<16xi32>
      %gather3A_767 = tpu.dynamic_gather %get3A_43[%gather3A_766] in [0] : vector<16xf32>, vector<16xi32> -> vector<16xf32>
      %get3A_768 = arith.constant 28 : i32
      %get3A_769 = arith.index_cast %get3A_768 : i32 to index
      %get3A_770 = arith.index_cast %mul3A_57 : i32 to index
      %get3A_771 = tpu.vector_load %arg11[%get3A_769, %get3A_770] {strides = array<i32>} : memref<32x512xf32, #tpu.memory_space<vmem>>, vector<1x16xf32>,
      %get3A_772 = vector.shape_cast %get3A_771 : vector<1x16xf32> to vector<16xf32>
      %get3A_773 = arith.constant 28 : i32
      %get3A_774 = arith.index_cast %get3A_773 : i32 to index
      %get3A_775 = arith.index_cast %mul3A_57 : i32 to index
      %get3A_776 = tpu.vector_load %arg12[%get3A_774, %get3A_775] {strides = array<i32>} : memref<32x512xf32, #tpu.memory_space<vmem>>, vector<1x16xf32>,
      %get3A_777 = vector.shape_cast %get3A_776 : vector<1x16xf32> to vector<16xf32>
      %mul3A_778 = arith.mulf %get3A_772, %get3A_777 : vector<16xf32>
      %mul3A_779 = arith.mulf %mul3A_778, %gather3A_767 : vector<16xf32>
      %add3A_780 = arith.addf %add3A_755, %mul3A_779 : vector<16xf32>
      %broadcast_in_dim3A_781 = arith.constant 13 : i32
      %broadcast_in_dim3A_782 = vector.broadcast %broadcast_in_dim3A_781 : i32 to vector<16xi32>
      %lt3A_783 = arith.constant 0 : i32
      %lt3A_784 = vector.broadcast %lt3A_783 : i32 to vector<16xi32>
      %lt3A_785 = arith.cmpi slt, %broadcast_in_dim3A_782, %lt3A_784 : vector<16xi32>
      %add3A_786 = arith.constant 16 : i32
      %add3A_787 = vector.broadcast %add3A_786 : i32 to vector<16xi32>
      %add3A_788 = arith.addi %broadcast_in_dim3A_782, %add3A_787 : vector<16xi32>
      %select_n3A_789 = arith.select %lt3A_785, %add3A_788, %broadcast_in_dim3A_782 : vector<16xi1>, vector<16xi32>
      %broadcast_in_dim3A_790 = vector.shape_cast %select_n3A_789 : vector<16xi32> to vector<16x1xi32>
      %gather3A_791 = vector.shape_cast %broadcast_in_dim3A_790 : vector<16x1xi32> to vector<16xi32>
      %gather3A_792 = tpu.dynamic_gather %get3A_43[%gather3A_791] in [0] : vector<16xf32>, vector<16xi32> -> vector<16xf32>
      %get3A_793 = arith.constant 29 : i32
      %get3A_794 = arith.index_cast %get3A_793 : i32 to index
      %get3A_795 = arith.index_cast %mul3A_57 : i32 to index
      %get3A_796 = tpu.vector_load %arg11[%get3A_794, %get3A_795] {strides = array<i32>} : memref<32x512xf32, #tpu.memory_space<vmem>>, vector<1x16xf32>,
      %get3A_797 = vector.shape_cast %get3A_796 : vector<1x16xf32> to vector<16xf32>
      %get3A_798 = arith.constant 29 : i32
      %get3A_799 = arith.index_cast %get3A_798 : i32 to index
      %get3A_800 = arith.index_cast %mul3A_57 : i32 to index
      %get3A_801 = tpu.vector_load %arg12[%get3A_799, %get3A_800] {strides = array<i32>} : memref<32x512xf32, #tpu.memory_space<vmem>>, vector<1x16xf32>,
      %get3A_802 = vector.shape_cast %get3A_801 : vector<1x16xf32> to vector<16xf32>
      %mul3A_803 = arith.mulf %get3A_797, %get3A_802 : vector<16xf32>
      %mul3A_804 = arith.mulf %mul3A_803, %gather3A_792 : vector<16xf32>
      %add3A_805 = arith.addf %add3A_780, %mul3A_804 : vector<16xf32>
      %broadcast_in_dim3A_806 = arith.constant 14 : i32
      %broadcast_in_dim3A_807 = vector.broadcast %broadcast_in_dim3A_806 : i32 to vector<16xi32>
      %lt3A_808 = arith.constant 0 : i32
      %lt3A_809 = vector.broadcast %lt3A_808 : i32 to vector<16xi32>
      %lt3A_810 = arith.cmpi slt, %broadcast_in_dim3A_807, %lt3A_809 : vector<16xi32>
      %add3A_811 = arith.constant 16 : i32
      %add3A_812 = vector.broadcast %add3A_811 : i32 to vector<16xi32>
      %add3A_813 = arith.addi %broadcast_in_dim3A_807, %add3A_812 : vector<16xi32>
      %select_n3A_814 = arith.select %lt3A_810, %add3A_813, %broadcast_in_dim3A_807 : vector<16xi1>, vector<16xi32>
      %broadcast_in_dim3A_815 = vector.shape_cast %select_n3A_814 : vector<16xi32> to vector<16x1xi32>
      %gather3A_816 = vector.shape_cast %broadcast_in_dim3A_815 : vector<16x1xi32> to vector<16xi32>
      %gather3A_817 = tpu.dynamic_gather %get3A_43[%gather3A_816] in [0] : vector<16xf32>, vector<16xi32> -> vector<16xf32>
      %get3A_818 = arith.constant 30 : i32
      %get3A_819 = arith.index_cast %get3A_818 : i32 to index
      %get3A_820 = arith.index_cast %mul3A_57 : i32 to index
      %get3A_821 = tpu.vector_load %arg11[%get3A_819, %get3A_820] {strides = array<i32>} : memref<32x512xf32, #tpu.memory_space<vmem>>, vector<1x16xf32>,
      %get3A_822 = vector.shape_cast %get3A_821 : vector<1x16xf32> to vector<16xf32>
      %get3A_823 = arith.constant 30 : i32
      %get3A_824 = arith.index_cast %get3A_823 : i32 to index
      %get3A_825 = arith.index_cast %mul3A_57 : i32 to index
      %get3A_826 = tpu.vector_load %arg12[%get3A_824, %get3A_825] {strides = array<i32>} : memref<32x512xf32, #tpu.memory_space<vmem>>, vector<1x16xf32>,
      %get3A_827 = vector.shape_cast %get3A_826 : vector<1x16xf32> to vector<16xf32>
      %mul3A_828 = arith.mulf %get3A_822, %get3A_827 : vector<16xf32>
      %mul3A_829 = arith.mulf %mul3A_828, %gather3A_817 : vector<16xf32>
      %add3A_830 = arith.addf %add3A_805, %mul3A_829 : vector<16xf32>
      %broadcast_in_dim3A_831 = arith.constant 15 : i32
      %broadcast_in_dim3A_832 = vector.broadcast %broadcast_in_dim3A_831 : i32 to vector<16xi32>
      %lt3A_833 = arith.constant 0 : i32
      %lt3A_834 = vector.broadcast %lt3A_833 : i32 to vector<16xi32>
      %lt3A_835 = arith.cmpi slt, %broadcast_in_dim3A_832, %lt3A_834 : vector<16xi32>
      %add3A_836 = arith.constant 16 : i32
      %add3A_837 = vector.broadcast %add3A_836 : i32 to vector<16xi32>
      %add3A_838 = arith.addi %broadcast_in_dim3A_832, %add3A_837 : vector<16xi32>
      %select_n3A_839 = arith.select %lt3A_835, %add3A_838, %broadcast_in_dim3A_832 : vector<16xi1>, vector<16xi32>
      %broadcast_in_dim3A_840 = vector.shape_cast %select_n3A_839 : vector<16xi32> to vector<16x1xi32>
      %gather3A_841 = vector.shape_cast %broadcast_in_dim3A_840 : vector<16x1xi32> to vector<16xi32>
      %gather3A_842 = tpu.dynamic_gather %get3A_43[%gather3A_841] in [0] : vector<16xf32>, vector<16xi32> -> vector<16xf32>
      %get3A_843 = arith.constant 31 : i32
      %get3A_844 = arith.index_cast %get3A_843 : i32 to index
      %get3A_845 = arith.index_cast %mul3A_57 : i32 to index
      %get3A_846 = tpu.vector_load %arg11[%get3A_844, %get3A_845] {strides = array<i32>} : memref<32x512xf32, #tpu.memory_space<vmem>>, vector<1x16xf32>,
      %get3A_847 = vector.shape_cast %get3A_846 : vector<1x16xf32> to vector<16xf32>
      %get3A_848 = arith.constant 31 : i32
      %get3A_849 = arith.index_cast %get3A_848 : i32 to index
      %get3A_850 = arith.index_cast %mul3A_57 : i32 to index
      %get3A_851 = tpu.vector_load %arg12[%get3A_849, %get3A_850] {strides = array<i32>} : memref<32x512xf32, #tpu.memory_space<vmem>>, vector<1x16xf32>,
      %get3A_852 = vector.shape_cast %get3A_851 : vector<1x16xf32> to vector<16xf32>
      %mul3A_853 = arith.mulf %get3A_847, %get3A_852 : vector<16xf32>
      %mul3A_854 = arith.mulf %mul3A_853, %gather3A_842 : vector<16xf32>
      %add3A_855 = arith.addf %add3A_830, %mul3A_854 : vector<16xf32>
      %add3A_856 = arith.addf %add3A_855, %get3A_46 : vector<16xf32>
      %neg3A = arith.constant 0.000000e+00 : f32
      %neg3A_857 = vector.broadcast %neg3A : f32 to vector<16xf32>
      %neg3A_858 = arith.subf %neg3A_857, %add3A_856 : vector<16xf32>
      %exp3A = math.exp %neg3A_858 : vector<16xf32>
      %add3A_859 = arith.constant 1.000000e+00 : f32
      %add3A_860 = vector.broadcast %add3A_859 : f32 to vector<16xf32>
      %add3A_861 = arith.addf %add3A_860, %exp3A : vector<16xf32>
      %div3A = arith.constant 1.000000e+00 : f32
      %div3A_862 = vector.broadcast %div3A : f32 to vector<16xf32>
      %div3A_863 = arith.divf %div3A_862, %add3A_861 : vector<16xf32>
      %swap3A = arith.index_cast %mul3A_57 : i32 to index
      %swap3A_864 = tpu.vector_load %arg15[%swap3A] {strides = array<i32>} : memref<512xf32, #tpu.memory_space<vmem>>, vector<16xf32>,
      %swap3A_865 = vector.shape_cast %swap3A_864 : vector<16xf32> to vector<16xf32>
      %swap3A_866 = vector.shape_cast %div3A_863 : vector<16xf32> to vector<16xf32>
      tpu.vector_store %arg15[%swap3A], %swap3A_866 {strides = array<i32>} : memref<512xf32, #tpu.memory_space<vmem>>, vector<16xf32>,
      %scan3A_867 = arith.constant 0 : i32
      scf.yield %scan3A_867 : i32
    }
    %scan3A_53 = arith.constant 32 : i32
    "tpu.region"() ({
      %run_scoped3A = tpu.sem_alloc : memref<!tpu.dma_semaphore, #tpu.memory_space<semaphore_mem>>
      %dma_start3A_54 = tpu.memref_slice %arg8[%mul3A_2] : memref<16384xf32, #tpu.memory_space<hbm>> -> memref<512xf32, #tpu.memory_space<hbm>>
      %dma_start3A_55 = tpu.memref_slice %arg8[%mul3A_2] : memref<16384xf32, #tpu.memory_space<hbm>> -> memref<512xf32, #tpu.memory_space<hbm>>
      tpu.enqueue_dma source(%arg15 : memref<512xf32, #tpu.memory_space<vmem>>) target(%dma_start3A_55 : memref<512xf32, #tpu.memory_space<hbm>>) target_semaphore(%run_scoped3A : memref<!tpu.dma_semaphore, #tpu.memory_space<semaphore_mem>>)
      %dma_wait3A_56 = tpu.memref_slice %arg8[%mul3A_2] : memref<16384xf32, #tpu.memory_space<hbm>> -> memref<512xf32, #tpu.memory_space<hbm>>
      %dma_wait3A_57 = tpu.memref_slice %arg8[%mul3A_2] : memref<16384xf32, #tpu.memory_space<hbm>> -> memref<512xf32, #tpu.memory_space<hbm>>
      tpu.wait_dma2 semaphore(%run_scoped3A : memref<!tpu.dma_semaphore, #tpu.memory_space<semaphore_mem>>) src(%arg15 : memref<512xf32, #tpu.memory_space<vmem>>) dst(%dma_wait3A_57 : memref<512xf32, #tpu.memory_space<hbm>>)
      tpu.yield
    }) : () -> ()
    return
  }
}

</mosaic_0001>

<sc_bundles>
// kernel: kernel.3.cloned.1.call-start
scs
__scs_entry_jumppad:
0x0: {  	(pc) =	sbr.rel $0x88, $3  }
0x1: {  	(tag) =	ssettag $0x0;
	lr =	simm.s32 $0x1  }
0x2: {  	[smem:$0x3F9B] =	sst lr;
	_ =	strace $0xD0000000  }
0x3: {  	_ = 	snop  }
0x4: {  	_ = 	snop  }
0x5: {  	_ = 	snop  }
0x6: {  	_ = 	snop  }
0x7: {  	_ = 	snop  }
__scs_overlays_trampoline_lowered:
0x8: {  	[smem:$0x3FAA] =	sst s0  }
0x9: {  	[smem:$0x3FAB] =	sst s1  }
0xa: {  	[smem:$0x3FAC] =	sst s2  }
0xb: {  	[smem:$0x3FAD] =	sst s3  }
0xc: {  	[smem:$0x3FAE] =	sst s4  }
0xd: {  	[smem:$0x3FAF] =	sst s5  }
0xe: {  	[smem:$0x3FB0] =	sst s6  }
0xf: {  	[smem:$0x3FB1] =	sst s7  }
0x10: {  	[smem:$0x3FB2] =	sst s8  }
0x11: {  	[smem:$0x3FB3] =	sst s9;
	s0 =	simm.s32 @!p0 $0x0  }
0x12: {  	s1 =	sld [smem:$0x3F99];
	s0 =	simm.s32 @p0 $0x1  }
0x13: {  	[smem:$0x3FB4] =	sst s0;
	s0 =	simm.s32 @!p1 $0x0  }
0x14: {  	s2 =	sld [smem:$0x3F98];
	s0 =	simm.s32 @p1 $0x1  }
0x15: {  	[smem:$0x3FB5] =	sst s0;
	s0 =	simm.s32 @!p2 $0x0  }
0x16: {  	s3 =	sld [smem:$0x3FDB];
	s0 =	simm.s32 @p2 $0x1  }
0x17: {  	s4 =	simm.s32 $0x1BF5;
	[smem:$0x3FB7] =	sst s0  }
0x18: {  	s0 =	sld [smem:$0x3F9A];
	_ =	swait.ge [sflag:s4], $0x0  }
0x19: {  	s7 =	sld [smem:$0x3F9B]  }
0x1a: {  	s8 =	sadd.s32 $0xFFFFE003, lr  }
0x1b: {  	s9 =	sadd.s32 $0xFFFFFEF7, lr;
	s5 =	simm.s32 $0xFFFFFFFF;
	p2 =	slt.u32 s8, $0xFFFFF086  }
0x1c: {  	p1 =	slt.u32 s9, $0xF7A;
	s5 =	simm.s32 @!p2 $0x0  }
0x1d: {  	s5 =	simm.s32 @p1 $0x1;
	p0 =	seq.s32 s7, s2  }
0x1e: {  	s7 =	smul.u32 @!p0 $0xF7A, s2;
	p2 =	seq.s32 @!p0 s5, $0x0  }
0x1f: {  	s9 =	smul.u32 $0xF7A, s1;
	s8 =	simm.s32 @!p0 $0x1BF5;
	p2 =	por !p2, p0  }
0x20: {  	[sflag:s8] =	ssyncset.s32 @!p0 $0xFFFFF086;
	s6 =	sadd.s32 @!p0 s3, s7;
	s7 =	simm.s32 @!p0 $0x108  }
0x21: {  	s3 =	sadd.s32 s3, s9;
	s6 =	sadd.s32 @!p0 $0x88, s6;
	s7 =	simm.s32 @p2 $0x1082  }
0x22: {  	[simem:s7], [sflag:s8] =	dma.local @!p0 [hbm:s6], $0xF7A  }
0x23: {  	s9 =	sor.u32 $0xD0000000, s2;
	s6 =	simm.s32 $0x108;
	_ =	swait.ge @!p0 [sflag:s8], $0x0  }
0x24: {  	s3 =	sadd.s32 $0x88, s3;
	s6 =	simm.s32 @!p1 $0x1082;
	[sflag:s4] =	ssyncset.s32 $0xFFFFF086  }
0x25: {  	[simem:s6], [sflag:s4] =	dma.local [hbm:s3], $0xF7A  }
0x26: {  	[smem:$0x3F9B] =	sst s1;
	(tag) =	ssettag s2;
	_ =	strace s9  }
0x27: {  	s1 =	sld [smem:$0x3FAB]  }
0x28: {  	s2 =	sld [smem:$0x3FAC]  }
0x29: {  	s4 =	sld [smem:$0x3FAE]  }
0x2a: {  	p0 =	seq.s32 s5, $0x0;
	s5 =	sld [smem:$0x3FAF]  }
0x2b: {  	s6 =	sld [smem:$0x3FB0]  }
0x2c: {  	s7 =	sld [smem:$0x3FB1]  }
0x2d: {  	s3 =	simm.s32 $0x108;
	s8 =	sld [smem:$0x3FB2]  }
0x2e: {  	s3 =	simm.s32 @!p0 $0x1082;
	s9 =	sld [smem:$0x3FB3]  }
0x2f: {  	lr =	sadd.s32 s0, s3;
	s0 =	sld [smem:$0x3FAA]  }
0x30: {  	s3 =	sld [smem:$0x3FAD]  }
0x31: {  	[smem:$0x3FB6] =	sst s10  }
0x32: {  	s10 =	sld [smem:$0x3FB4];
	_ =	sdelay $0x3  }
0x33: {  	p0 =	seq.s32 s10, $0x1;
	s10 =	sld [smem:$0x3FB6];
	_ =	sdelay $0x3  }
0x34: {  	[smem:$0x3FB6] =	sst s10  }
0x35: {  	s10 =	sld [smem:$0x3FB5];
	_ =	sdelay $0x3  }
0x36: {  	p1 =	seq.s32 s10, $0x1;
	s10 =	sld [smem:$0x3FB6];
	_ =	sdelay $0x3  }
0x37: {  	[smem:$0x3FB6] =	sst s10  }
0x38: {  	s10 =	sld [smem:$0x3FB7]  }
0x39: {  	_ = 	snop;
	(pc) =	sbr.ind lr, $3  }
0x3a: {  	_ = 	snop  }
0x3b: {  	_ = 	snop  }
0x3c: {  	p2 =	seq.s32 s10, $0x1;
	s10 =	sld [smem:$0x3FB6]  }
0x3d: {  	_ =	shalt  }
0x3e: {  	_ =	shalt  }
0x3f: {  	_ =	shalt  }
0x40: {  	_ =	shalt  }
0x41: {  	_ =	shalt  }
0x42: {  	_ =	shalt  }
0x43: {  	_ =	shalt  }
0x44: {  	_ =	shalt  }
0x45: {  	_ =	shalt  }
0x46: {  	_ =	shalt  }
0x47: {  	_ =	shalt  }
0x48: {  	_ =	shalt  }
0x49: {  	_ =	shalt  }
0x4a: {  	_ =	shalt  }
0x4b: {  	_ =	shalt  }
0x4c: {  	_ =	shalt  }
0x4d: {  	_ =	shalt  }
0x4e: {  	_ =	shalt  }
0x4f: {  	_ =	shalt  }
0x50: {  	_ =	shalt  }
0x51: {  	_ =	shalt  }
0x52: {  	_ =	shalt  }
0x53: {  	_ =	shalt  }
0x54: {  	_ =	shalt  }
0x55: {  	_ =	shalt  }
0x56: {  	_ =	shalt  }
0x57: {  	_ =	shalt  }
0x58: {  	_ =	shalt  }
0x59: {  	_ =	shalt  }
0x5a: {  	_ =	shalt  }
0x5b: {  	_ =	shalt  }
0x5c: {  	_ =	shalt  }
0x5d: {  	_ =	shalt  }
0x5e: {  	_ =	shalt  }
0x5f: {  	_ =	shalt  }
0x60: {  	_ =	shalt  }
0x61: {  	_ =	shalt  }
0x62: {  	_ =	shalt  }
0x63: {  	_ =	shalt  }
0x64: {  	_ =	shalt  }
0x65: {  	_ =	shalt  }
0x66: {  	_ =	shalt  }
0x67: {  	_ =	shalt  }
0x68: {  	_ =	shalt  }
0x69: {  	_ =	shalt  }
0x6a: {  	_ =	shalt  }
0x6b: {  	_ =	shalt  }
0x6c: {  	_ =	shalt  }
0x6d: {  	_ =	shalt  }
0x6e: {  	_ =	shalt  }
0x6f: {  	_ =	shalt  }
0x70: {  	_ =	shalt  }
0x71: {  	_ =	shalt  }
0x72: {  	_ =	shalt  }
0x73: {  	_ =	shalt  }
0x74: {  	_ =	shalt  }
0x75: {  	_ =	shalt  }
0x76: {  	_ =	shalt  }
0x77: {  	_ =	shalt  }
0x78: {  	_ =	shalt  }
0x79: {  	_ =	shalt  }
0x7a: {  	_ =	shalt  }
0x7b: {  	_ =	shalt  }
0x7c: {  	_ =	shalt  }
0x7d: {  	_ =	shalt  }
0x7e: {  	_ =	shalt  }
0x7f: {  	_ =	shalt  }
0x80: {  	_ =	shalt  }
0x81: {  	_ =	shalt  }
0x82: {  	_ =	shalt  }
0x83: {  	_ =	shalt  }
0x84: {  	_ =	shalt  }
0x85: {  	_ =	shalt  }
0x86: {  	_ =	shalt  }
0x87: {  	_ =	shalt  }
.Lfunc_end0:
.L_simem_size_0:
called_computation_lowered:
.L_overlay_start_0:
0x88: {  	s2 =	sld [smem:$0x3FD9]  }
0x89: {  	s3 =	sld [smem:$0x3FFE];
	_ =	sdelay $0x1  }
0x8a: {  	s1 =	srdreg.scid  }
0x8b: {  	s0 =	sand.u32 $0x1, s1  }
0x8c: {  	s17 =	sshll.u32 s0, $0xA;
	s2 =	sadd.s32 s3, s2  }
0x8d: {  	s2 =	sadd.s32 s2, s17  }
0x8e: {  	[smem:$0x3FC2] =	sst s2  }
0x8f: {  	_ = 	snop  }
0x90: {  	s2 =	sld [smem:$0x3FC9]  }
0x91: {  	s18 =	sld [smem:$0x3FC8]  }
0x92: {  	s4 =	sld [smem:$0x3FC5]  }
0x93: {  	s5 =	sld [smem:$0x3FD0];
	(tm) =	ssettm $0x1  }
0x94: {  	s6 =	sld [smem:$0x3FFB];
	_ =	sdelay $0x3  }
0x95: {  	_ =	strace s6  }
0x96: {  	s6 =	sld [smem:$0x3FFC];
	_ =	sdelay $0x3  }
0x97: {  	_ =	strace s6  }
0x98: {  	s6 =	sld [smem:$0x3FFD];
	_ =	sdelay $0x3  }
0x99: {  	_ =	strace s6  }
0x9a: {  	_ =	strace $0x8FFFFFFF  }
0x9b: {  	s19 =	sld [smem:$0x3FDB];
	_ =	sdelay $0x1  }
0x9c: {  	s7 =	simm.s32 $_scs_section_size  }
0x9d: {  	s8 =	simm.s32 $_size__tile_overlayer_lowered;
	s9 =	simm.s32 $_tile_overlayer_lowered  }
0x9e: {  	s22 =	simm.s32 $0x1BFF;
	s21 =	sshll.u32 s9, $0x1;
	s6 =	sadd.s32 s7, s19  }
0x9f: {  	s10 =	simm.s32 $0x0;
	s20 =	sshll.u32 s8, $0x1;
	s8 =	sadd.s32 s21, s6  }
0xa0: {  	[timem:s10], [sflag:s22] =	dma.local [hbm:s8], s20  }
0xa1: {  	_ =	swait.ge [sflag:s22], s20  }
0xa2: {  	s7 =	ssub.s32 $0x0, s20;
	[sflag:s22] =	ssyncset.done $0x0  }
0xa3: {  	[sflag:s22] =	ssyncadd.s32 s7;
	_ =	sdelay $0x1  }
0xa4: {  	s23 =	simm.s32 $0x1B8B  }
0xa5: {  	_ =	swait.ge [sflag:s23], $0x1  }
0xa6: {  	[sflag:s23] =	ssyncset.done $0x0  }
0xa7: {  	s25 =	simm.s32 $0x1B8E;
	s24 =	sld [smem:$0x3FFE];
	[sflag:s23] =	ssyncadd.s32 $0xFFFFFFFF  }
0xa8: {  	s26 =	simm.s32 $execute0_lowered;
	[smem:$0x3FD2] =	sst s25  }
0xa9: {  	s8 =	sshll.u32 s26, $0x1;
	_ =	strace $0x80000046;
	[dreg:$0x1] =	wrdreg $0xFFFFFFFF  }
0xaa: {  	s28 =	simm.s32 $_size_execute0_lowered;
	s6 =	sadd.s32 s6, s8;
	[dreg:$0x0] =	wrdreg $0x0  }
0xab: {  	s8 =	sshll.u32 s28, $0x1;
	[dreg:$0x2] =	wrdreg s6  }
0xac: {  	[dreg:$0x3] =	wrdreg s8  }
0xad: {  	[dreg:$0x4] =	wrdreg $0xC0  }
0xae: {  	_ =	task [dreg:s10], $0x5FFFF  }
0xaf: {  	[dreg:$0x1] =	wrdreg $0xFFFFFFFF  }
0xb0: {  	[dreg:$0x0] =	wrdreg $0x60  }
0xb1: {  	[dreg:$0x2] =	wrdreg s2  }
0xb2: {  	[dreg:$0x3] =	wrdreg s18  }
0xb3: {  	[dreg:$0x4] =	wrdreg s24  }
0xb4: {  	[dreg:$0x5] =	wrdreg s4  }
0xb5: {  	[dreg:$0x6] =	wrdreg s5  }
0xb6: {  	[dreg:$0x7] =	wrdreg $0x9  }
0xb7: {  	_ =	task.clear_ibuf [dreg:s10], $0x8FFFF;
	_ =	strace $0x90000046  }
0xb8: {  	s29 =	simm.s32 $0x9;
	_ =	strace $0x80000048  }
0xb9: {  	_ =	swait.ge [sflag:s29], $0x1  }
0xba: {  	[sflag:s29] =	ssyncadd.s32 $0xFFFFFFFF  }
0xbb: {  	_ =	strace $0x90000048  }
0xbc: {  	_ =	sfence  }
0xbd: {  	s30 =	sld [smem:$0x0];
	_ =	sdelay $0x2  }
0xbe: {  	s31 =	sshll.u32 s1, $0xD;
	s1 =	sshrl.u32 s1, $0x2  }
0xbf: {  	s3 =	sand.u32 $0x4000, s31;
	s1 =	sadd.s32 s1, s30  }
0xc0: {  	s0 =	sor.u32 s3, s0;
	s1 =	sshll.u32 s1, $0x11  }
0xc1: {  	s0 =	sor.u32 s1, s0  }
0xc2: {  	s0 =	sadd.s32 $0x8F2B, s0  }
0xc3: {  	[sflag:s0] =	ssyncadd.remote.s32 $0x1  }
0xc4: {  	_ =	sfence.sel $0xFFFF  }
0xc5: {  	[dreg:$0x0] =	wrdreg $0xFFFFFFFF;
	(pc) =	sbr.abs _section_cstart, $3  }
0xc6: {  	[dreg:$0x1] =	wrdreg $0xFFFFFFFF  }
0xc7: {  	_ =	task.clear_ibuf [dreg:s10], $0x2FFFF;
	_ =	strace $0x9FFFFFFF  }
0xc8: {  	(tm) =	ssettm $0x7FFFFFFF  }
0xc9: {  	_ =	shalt  }
tec
execute0_lowered:
.L_overlay_start_1:
0x0: {  	(tag) =	ssettag $0x1  }
0x1: {  	s7 =	rddreg [dreg:$0x0]  }
0x2: {  	s8 =	rddreg [dreg:$0x1]  }
0x3: {  	s1 =	rddreg [dreg:$0x2]  }
0x4: {  	s2 =	rddreg [dreg:$0x3]  }
0x5: {  	s9 =	rddreg [dreg:$0x4];
	s3 =	simm.s32 $0x0  }
0x6: {  	s6 =	srdreg.scid;
	s4 =	stileid.u32;
	s14 =	simm.s32 $0x8420  }
0x7: {  	s15 =	simm.s32 $0x1;
	s16 =	simm.s32 $0x80;
	s17 =	simm.s32 $0x280  }
0x8: {  	s18 =	simm.s32 $0x100;
	s19 =	simm.s32 $0x300;
	s20 =	simm.s32 $0x180  }
0x9: {  	s21 =	simm.s32 $0x380;
	s22 =	simm.s32 $0x8430;
	s23 =	simm.s32 $0x0  }
0xa: {  	v0 =	vimm.s32 $0x0;
	[smem:$0x7FF] =	sst s3;
	s5 =	sadd.s32 $0x3D0A00, s1;
	s6 =	sand.u32 $0x1, s6  }
0xb: {  	v1 =	vimm.s32 $0x1;
	v2 =	vimm.s32 $0x2;
	v3 =	vimm.s32 $0x3;
	s11 =	sshll.u32 s4, $0x7;
	_ =	strace $0x80000047;
	s10 =	ssub.s32 $0x2, s6  }
0xc: {  	v4 =	vimm.s32 $0x4;
	v5 =	vimm.s32 $0x5;
	v6 =	vimm.s32 $0x6;
	s12 =	sshll.u32 s6, $0x6;
	s6 =	sadd.s32 $0x7A1400, s1;
	s13 =	sshrl.u32 s10, $0x1  }
0xd: {  	v7 =	vimm.s32 $0x7;
	v8 =	vimm.s32 $0x8;
	v9 =	vimm.s32 $0x9;
	s11 =	sor.u32 s12, s11;
	s12 =	simm.s32 $0x8400;
	s10 =	ssub.s32 s10, s13  }
0xe: {  	v10 =	vimm.s32 $0xA;
	v11 =	vimm.s32 $0xB;
	v12 =	vimm.s32 $0xC;
	s7 =	sadd.s32 s7, s11;
	s8 =	sadd.s32 s8, s11;
	s9 =	sadd.s32 s9, s11  }
0xf: {  	v13 =	vimm.s32 $0xD;
	v14 =	vimm.s32 $0xE;
	v15 =	vimm.s32 $0xF;
	s11 =	simm.s32 $0x200;
	s13 =	simm.s32 $0x2;
	s10 =	smax.u32 s10, $0x1  }
.LBB2_1:
0x10: {  	[tilespmem:s3], [sflag:$0x1] =	stream.linear.gather [hbm4b:s7+s3], $0x200, $0x38;
	[tilespmem:$0x8630] =	vst v63  }
0x11: {  	_ = 	snop  }
0x12: {  	[tilespmem:s11], [sflag:$0x1] =	stream.linear.gather [hbm4b:s8+s3], $0x200, $0x38;
	[tilespmem:$0x8630] =	vst v63  }
0x13: {  	_ = 	snop  }
0x14: {  	[tilespmem:s12], [sflag:$0x2] =	stream.linear.gather [hbm4b:s2+s3], $0x20, $0x38;
	[tilespmem:$0x8630] =	vst v63  }
0x15: {  	_ =	swait.ge [sflag:s13], $0x20  }
0x16: {  	[sflag:s13] =	ssyncset.done $0x0  }
0x17: {  	[sflag:s13] =	ssyncadd.s32 $0xFFFFFFE0  }
0x18: {  	[tilespmem:s14], [sflag:$0x2] =	stream.linear.gather [hbm4b:s6+s3], $0x10, $0x38;
	[tilespmem:$0x8630] =	vst v63  }
0x19: {  	_ =	swait.ge [sflag:s13], $0x10  }
0x1a: {  	[sflag:s13] =	ssyncset.done $0x0  }
0x1b: {  	[sflag:s13] =	ssyncadd.s32 $0xFFFFFFF0  }
0x1c: {  	_ =	swait.ge [sflag:s15], $0x200  }
0x1d: {  	[sflag:s15] =	ssyncset.done $0x0  }
0x1e: {  	[sflag:s15] =	ssyncadd.s32 $0xFFFFFE00  }
0x1f: {  	_ =	swait.ge [sflag:s15], $0x200  }
0x20: {  	[sflag:s15] =	ssyncset.done $0x0  }
0x21: {  	s24 =	simm.s32 $0x400;
	[sflag:s15] =	ssyncadd.s32 $0xFFFFFE00  }
0x22: {  	[tilespmem:s24], [sflag:$0x1] =	stream.indirect.gather [hbm4b:s5+s16], $0x1, s3, s16, $0xb8;
	[tilespmem:$0x8630] =	vst v63  }
0x23: {  	s26 =	simm.s32 $0x4400  }
0x24: {  	[tilespmem:s26], [sflag:$0x1] =	stream.indirect.gather [hbm4b:s1+s16], $0x1, s11, s16, $0xb8;
	[tilespmem:$0x8630] =	vst v63  }
0x25: {  	s31 =	simm.s32 $0x480  }
0x26: {  	[tilespmem:s31], [sflag:$0x1] =	stream.indirect.gather [hbm4b:s5+s16], $0x1, s16, s16, $0xb8;
	[tilespmem:$0x8630] =	vst v63  }
0x27: {  	s0 =	simm.s32 $0x4480  }
0x28: {  	[tilespmem:s0], [sflag:$0x1] =	stream.indirect.gather [hbm4b:s1+s16], $0x1, s17, s16, $0xb8;
	[tilespmem:$0x8630] =	vst v63  }
0x29: {  	s25 =	simm.s32 $0x500;
	s29 =	simm.s32 $0x1000;
	s30 =	simm.s32 $0x4580  }
0x2a: {  	[tilespmem:s25], [sflag:$0x1] =	stream.indirect.gather [hbm4b:s5+s16], $0x1, s18, s16, $0xb8;
	[tilespmem:$0x8630] =	vst v63  }
0x2b: {  	s28 =	smov.u32 s1;
	s24 =	sadd.s32 $0x1E848, s1;
	s26 =	simm.s32 $0x4500  }
0x2c: {  	[tilespmem:s26], [sflag:$0x1] =	stream.indirect.gather [hbm4b:s1+s16], $0x1, s19, s16, $0xb8;
	[tilespmem:$0x8630] =	vst v63  }
0x2d: {  	s31 =	simm.s32 $0x580;
	s25 =	simm.s32 $0x200;
	s26 =	sadd.s32 $0x1E848, s5  }
0x2e: {  	[tilespmem:s31], [sflag:$0x1] =	stream.indirect.gather [hbm4b:s5+s16], $0x1, s20, s16, $0xb8;
	[tilespmem:$0x8630] =	vst v63  }
.LBB2_2:
0x2f: {  	[tilespmem:s30], [sflag:$0x1] =	stream.indirect.gather [hbm4b:s28+s16], $0x1, s21, s16, $0xb8;
	[tilespmem:$0x8630] =	vst v63  }
0x30: {  	s30 =	smov.u32 s25;
	s25 =	smov.u32 s29;
	s28 =	smov.u32 s24  }
0x31: {  	s31 =	sadd.s32 $0x800, s29;
	s25 =	sshra.s32 s25, $0x2;
	s0 =	sadd.s32 $0x400, s30  }
0x32: {  	[tilespmem:s0], [sflag:$0x1] =	stream.indirect.gather [hbm4b:s26+s16], $0x1, s3, s16, $0xb8;
	[tilespmem:$0x8630] =	vst v63  }
0x33: {  	p0 =	sne.s32 s29, $0xF800;
	s0 =	sadd.s32 $0x4400, s30  }
0x34: {  	[tilespmem:s0], [sflag:$0x1] =	stream.indirect.gather [hbm4b:s24+s16], $0x1, s11, s16, $0xb8;
	[tilespmem:$0x8630] =	vst v63  }
0x35: {  	s0 =	sadd.s32 $0x480, s30  }
0x36: {  	[tilespmem:s0], [sflag:$0x1] =	stream.indirect.gather [hbm4b:s26+s16], $0x1, s16, s16, $0xb8;
	[tilespmem:$0x8630] =	vst v63  }
0x37: {  	s0 =	sadd.s32 $0x4480, s30  }
0x38: {  	[tilespmem:s0], [sflag:$0x1] =	stream.indirect.gather [hbm4b:s24+s16], $0x1, s17, s16, $0xb8;
	[tilespmem:$0x8630] =	vst v63  }
0x39: {  	s0 =	sadd.s32 $0x500, s30  }
0x3a: {  	[tilespmem:s0], [sflag:$0x1] =	stream.indirect.gather [hbm4b:s26+s16], $0x1, s18, s16, $0xb8;
	[tilespmem:$0x8630] =	vst v63  }
.Ltmp0:
0x3b: {  	s0 =	sadd.s32 $0x4500, s30;
	(pc) =	sbr.rel @p0 .LBB2_2-.Ltmp0, $4  }
0x3c: {  	[tilespmem:s0], [sflag:$0x1] =	stream.indirect.gather [hbm4b:s24+s16], $0x1, s19, s16, $0xb8;
	[tilespmem:$0x8630] =	vst v63  }
0x3d: {  	s29 =	smov.u32 s31;
	s0 =	sadd.s32 $0x580, s30  }
0x3e: {  	[tilespmem:s0], [sflag:$0x1] =	stream.indirect.gather [hbm4b:s26+s16], $0x1, s20, s16, $0xb8;
	[tilespmem:$0x8630] =	vst v63  }
0x3f: {  	s30 =	sadd.s32 $0x4580, s30;
	s24 =	sadd.s32 $0x1E848, s24;
	s26 =	sadd.s32 $0x1E848, s26  }
0x40: {  	[tilespmem:s30], [sflag:$0x1] =	stream.indirect.gather [hbm4b:s28+s16], $0x1, s21, s16, $0xb8;
	[tilespmem:$0x8630] =	vst v63  }
0x41: {  	s0 =	sadd.s32 $0x400, s25  }
0x42: {  	[tilespmem:s0], [sflag:$0x1] =	stream.indirect.gather [hbm4b:s26+s16], $0x1, s3, s16, $0xb8;
	[tilespmem:$0x8630] =	vst v63  }
0x43: {  	s29 =	sadd.s32 $0x4400, s25  }
0x44: {  	[tilespmem:s29], [sflag:$0x1] =	stream.indirect.gather [hbm4b:s24+s16], $0x1, s11, s16, $0xb8;
	[tilespmem:$0x8630] =	vst v63  }
0x45: {  	s30 =	sadd.s32 $0x480, s25  }
0x46: {  	[tilespmem:s30], [sflag:$0x1] =	stream.indirect.gather [hbm4b:s26+s16], $0x1, s16, s16, $0xb8;
	[tilespmem:$0x8630] =	vst v63  }
0x47: {  	s31 =	sadd.s32 $0x4480, s25  }
0x48: {  	[tilespmem:s31], [sflag:$0x1] =	stream.indirect.gather [hbm4b:s24+s16], $0x1, s17, s16, $0xb8;
	[tilespmem:$0x8630] =	vst v63  }
0x49: {  	s28 =	sadd.s32 $0x500, s25  }
0x4a: {  	[tilespmem:s28], [sflag:$0x1] =	stream.indirect.gather [hbm4b:s26+s16], $0x1, s18, s16, $0xb8;
	[tilespmem:$0x8630] =	vst v63  }
0x4b: {  	s29 =	sadd.s32 $0x4500, s25  }
0x4c: {  	[tilespmem:s29], [sflag:$0x1] =	stream.indirect.gather [hbm4b:s24+s16], $0x1, s19, s16, $0xb8;
	[tilespmem:$0x8630] =	vst v63  }
0x4d: {  	s30 =	sadd.s32 $0x580, s25  }
0x4e: {  	[tilespmem:s30], [sflag:$0x1] =	stream.indirect.gather [hbm4b:s26+s16], $0x1, s20, s16, $0xb8;
	[tilespmem:$0x8630] =	vst v63  }
0x4f: {  	s31 =	sadd.s32 $0x4580, s25  }
0x50: {  	[tilespmem:s31], [sflag:$0x1] =	stream.indirect.gather [hbm4b:s24+s16], $0x1, s21, s16, $0xb8;
	[tilespmem:$0x8630] =	vst v63  }
0x51: {  	_ =	swait.ge [sflag:s15], $0x4000  }
0x52: {  	[sflag:s15] =	ssyncset.done $0x0  }
0x53: {  	[sflag:s15] =	ssyncadd.s32 $0xFFFFC000  }
0x54: {  	_ =	swait.ge [sflag:s15], $0x4000  }
0x55: {  	[sflag:s15] =	ssyncset.done $0x0  }
0x56: {  	[sflag:s15] =	ssyncadd.s32 $0xFFFFC000  }
0x57: {  	v32 =	vld [tilespmem:$0x8400]  }
0x58: {  	s24 =	simm.s32 $0x0;
	v47 =	vld [tilespmem:$0x8410]  }
0x59: {  	v18 =	vld [tilespmem:s24+$0x800]  }
0x5a: {  	v17 =	vld [tilespmem:s24+$0x400]  }
0x5b: {  	v19 =	vld [tilespmem:s24+$0x4400]  }
0x5c: {  	v21 =	vld [tilespmem:s24+$0x600]  }
0x5d: {  	v22 =	vld [tilespmem:s24+$0x4600]  }
0x5e: {  	v23 =	vld [tilespmem:s24+$0x4800]  }
0x5f: {  	v24 =	vld [tilespmem:s24+$0xA00]  }
0x60: {  	v25 =	vld [tilespmem:s24+$0xC00]  }
0x61: {  	v27 =	vld [tilespmem:s24+$0xE00]  }
0x62: {  	v29 =	vld [tilespmem:s24+$0x4E00];
	v28 =	vperm.xlane v32, v0;
	v17 =	vmul.f32 v19, v17  }
0x63: {  	v19 =	vld [tilespmem:s24+$0x4A00];
	v20 =	vperm.xlane v32, v1  }
0x64: {  	v30 =	vld [tilespmem:s24+$0x1800];
	v21 =	vmul.f32 v22, v21;
	v26 =	vmul.f32 v17, v28  }
0x65: {  	v22 =	vld [tilespmem:s24+$0x4C00];
	v23 =	vmul.f32 v23, v18  }
0x66: {  	v31 =	vld [tilespmem:s24+$0x5000];
	v17 =	vperm.xlane v32, v2;
	v21 =	vmul.f32 v21, v20;
	v26 =	vadd.f32 $0.0e+00, v26  }
0x67: {  	v33 =	vld [tilespmem:s24+$0x5200];
	v18 =	vperm.xlane v32, v3  }
0x68: {  	v34 =	vld [tilespmem:s24+$0x5400];
	v23 =	vmul.f32 v23, v17;
	v24 =	vmul.f32 v19, v24;
	v21 =	vadd.f32 v21, v26  }
0x69: {  	v19 =	vperm.xlane v32, v4;
	v26 =	vld [tilespmem:s24+$0x1000]  }
0x6a: {  	v22 =	vmul.f32 v22, v25;
	v25 =	vld [tilespmem:s24+$0x1200];
	v24 =	vmul.f32 v24, v18;
	v23 =	vadd.f32 v23, v21  }
0x6b: {  	v35 =	vld [tilespmem:s24+$0x5600];
	v27 =	vmul.f32 v29, v27  }
0x6c: {  	v29 =	vld [tilespmem:s24+$0x1400];
	v21 =	vperm.xlane v32, v5;
	v23 =	vadd.f32 v24, v23;
	v24 =	vmul.f32 v22, v19  }
0x6d: {  	v59 =	vld [tilespmem:s24+$0x5800];
	v22 =	vperm.xlane v32, v6  }
0x6e: {  	v36 =	vld [tilespmem:s24+$0x1A00];
	v27 =	vmul.f32 v27, v21;
	v26 =	vmul.f32 v31, v26;
	v24 =	vadd.f32 v24, v23  }
0x6f: {  	v25 =	vmul.f32 v33, v25;
	v31 =	vld [tilespmem:s24+$0x1600]  }
0x70: {  	v60 =	vld [tilespmem:s24+$0x5A00];
	v23 =	vperm.xlane v32, v7;
	v24 =	vadd.f32 v27, v24;
	v27 =	vmul.f32 v26, v22  }
0x71: {  	v61 =	vld [tilespmem:s24+$0x1C00];
	v29 =	vmul.f32 v34, v29  }
0x72: {  	v37 =	vld [tilespmem:s24+$0x5C00];
	v26 =	vperm.xlane v32, v8;
	v25 =	vmul.f32 v25, v23;
	v27 =	vadd.f32 v27, v24  }
0x73: {  	v62 =	vld [tilespmem:s24+$0x1E00];
	v24 =	vperm.xlane v32, v9  }
0x74: {  	v38 =	vld [tilespmem:s24+$0x5E00];
	v29 =	vmul.f32 v29, v26;
	v31 =	vmul.f32 v35, v31;
	v27 =	vadd.f32 v25, v27  }
0x75: {  	v63 =	vld [tilespmem:s24+$0x2000];
	v30 =	vmul.f32 v59, v30  }
0x76: {  	v39 =	vld [tilespmem:s24+$0x6000];
	v25 =	vperm.xlane v32, v10;
	v31 =	vmul.f32 v31, v24;
	v29 =	vadd.f32 v29, v27  }
0x77: {  	v44 =	vld [tilespmem:s24+$0x2200];
	v34 =	vmul.f32 v60, v36  }
0x78: {  	v40 =	vld [tilespmem:s24+$0x6200];
	v27 =	vperm.xlane v32, v11;
	v30 =	vmul.f32 v30, v25;
	v31 =	vadd.f32 v31, v29  }
0x79: {  	v45 =	vld [tilespmem:s24+$0x2400];
	v35 =	vmul.f32 v37, v61  }
0x7a: {  	v41 =	vld [tilespmem:s24+$0x6400];
	v29 =	vperm.xlane v32, v12;
	v34 =	vmul.f32 v34, v27;
	v31 =	vadd.f32 v30, v31  }
0x7b: {  	v48 =	vld [tilespmem:s24+$0x2600];
	v33 =	vmul.f32 v38, v62  }
0x7c: {  	v50 =	vld [tilespmem:s24+$0x6600];
	v30 =	vperm.xlane v32, v13;
	v35 =	vmul.f32 v35, v29;
	v34 =	vadd.f32 v34, v31  }
0x7d: {  	v51 =	vld [tilespmem:s24+$0x2800];
	v46 =	vmul.f32 v39, v63  }
0x7e: {  	v42 =	vld [tilespmem:s24+$0x6800];
	v31 =	vperm.xlane v32, v14;
	v33 =	vmul.f32 v33, v30;
	v34 =	vadd.f32 v35, v34  }
0x7f: {  	v52 =	vld [tilespmem:s24+$0x2A00];
	v37 =	vmul.f32 v40, v44  }
0x80: {  	v43 =	vld [tilespmem:s24+$0x6A00];
	v32 =	vperm.xlane v32, v15;
	v35 =	vmul.f32 v46, v31;
	v34 =	vadd.f32 v33, v34  }
0x81: {  	v53 =	vld [tilespmem:s24+$0x2C00];
	v38 =	vmul.f32 v41, v45  }
0x82: {  	v55 =	vld [tilespmem:s24+$0x2E00];
	v37 =	vmul.f32 v37, v32;
	v33 =	vperm.xlane v47, v0;
	v35 =	vadd.f32 v35, v34  }
0x83: {  	v56 =	vld [tilespmem:s24+$0x3000];
	v36 =	vmul.f32 v50, v48  }
0x84: {  	v44 =	vld [tilespmem:s24+$0x6C00];
	v34 =	vperm.xlane v47, v1;
	v38 =	vmul.f32 v38, v33;
	v37 =	vadd.f32 v37, v35  }
0x85: {  	v57 =	vld [tilespmem:s24+$0x3200];
	v40 =	vmul.f32 v42, v51  }
0x86: {  	v45 =	vld [tilespmem:s24+$0x6E00];
	v35 =	vperm.xlane v47, v2;
	v54 =	vmul.f32 v36, v34;
	v37 =	vadd.f32 v38, v37  }
0x87: {  	v59 =	vld [tilespmem:s24+$0x3400];
	v41 =	vmul.f32 v43, v52  }
0x88: {  	v46 =	vld [tilespmem:s24+$0x7000];
	v36 =	vperm.xlane v47, v3;
	v40 =	vmul.f32 v40, v35;
	v38 =	vadd.f32 v54, v37  }
0x89: {  	v48 =	vld [tilespmem:s24+$0x7200];
	v39 =	vmul.f32 v44, v53  }
0x8a: {  	v50 =	vld [tilespmem:s24+$0x7400];
	v41 =	vmul.f32 v41, v36;
	v37 =	vperm.xlane v47, v4;
	v40 =	vadd.f32 v40, v38  }
0x8b: {  	v60 =	vld [tilespmem:s24+$0x3600];
	v42 =	vmul.f32 v45, v55  }
0x8c: {  	v52 =	vld [tilespmem:s24+$0x7800];
	v38 =	vperm.xlane v47, v5;
	v58 =	vmul.f32 v39, v37;
	v40 =	vadd.f32 v41, v40  }
0x8d: {  	v62 =	vld [tilespmem:s24+$0x3A00];
	v43 =	vmul.f32 v46, v56  }
0x8e: {  	v51 =	vld [tilespmem:s24+$0x7600];
	v39 =	vperm.xlane v47, v6;
	v42 =	vmul.f32 v42, v38;
	v41 =	vadd.f32 v58, v40  }
0x8f: {  	v61 =	vld [tilespmem:s24+$0x3800];
	v44 =	vmul.f32 v48, v57  }
0x90: {  	v55 =	vld [tilespmem:s24+$0x7C00];
	v43 =	vmul.f32 v43, v39;
	v40 =	vperm.xlane v47, v7;
	v42 =	vadd.f32 v42, v41  }
0x91: {  	v45 =	vmul.f32 v50, v59;
	v53 =	vld [tilespmem:s24+$0x7A00]  }
0x92: {  	v57 =	vld [tilespmem:s24+$0x3E00];
	v41 =	vperm.xlane v47, v8;
	v44 =	vmul.f32 v44, v40;
	v43 =	vadd.f32 v43, v42  }
0x93: {  	v46 =	vmul.f32 v51, v60;
	v54 =	vld [tilespmem:s24+$0x3C00]  }
0x94: {  	v58 =	vld [tilespmem:s24+$0x7E00];
	v42 =	vperm.xlane v47, v9;
	v45 =	vmul.f32 v45, v41;
	v44 =	vadd.f32 v44, v43  }
0x95: {  	v48 =	vmul.f32 v52, v61  }
0x96: {  	v16 =	vld [tilespmem:$0x8420];
	v43 =	vperm.xlane v47, v10;
	v46 =	vmul.f32 v46, v42;
	v45 =	vadd.f32 v45, v44  }
0x97: {  	v49 =	vld [tilespmem:s24+$0x4200];
	v50 =	vmul.f32 v53, v62  }
0x98: {  	v53 =	vld [tilespmem:s24+$0x8000];
	v44 =	vperm.xlane v47, v11;
	v48 =	vmul.f32 v48, v43;
	v63 =	vadd.f32 v46, v45  }
0x99: {  	v51 =	vld [tilespmem:s24+$0x4000];
	v60 =	vmul.f32 v55, v54;
	v57 =	vmul.f32 v58, v57  }
0x9a: {  	s25 =	simm.s32 $0x10;
	v52 =	vld [tilespmem:s24+$0x8200];
	v46 =	vperm.xlane v47, v12;
	v59 =	vmul.f32 v50, v44;
	v56 =	vadd.f32 v48, v63  }
0x9b: {  	v54 =	vld [tilespmem:s25+$0x400];
	v45 =	vperm.xlane v47, v13;
	v48 =	vperm.xlane v47, v14  }
0x9c: {  	s26 =	simm.s32 $0x80;
	v50 =	vld [tilespmem:s25+$0x800];
	v47 =	vperm.xlane v47, v15;
	v55 =	vadd.f32 v59, v56;
	v56 =	vmul.f32 v60, v46  }
.LBB2_4:
0x9d: {  	p0 =	sne.s32 s26, $0x7C0;
	v58 =	vld [tilespmem:s25+$0x4400]  }
0x9e: {  	v59 =	vld [tilespmem:s25+$0x600];
	v55 =	vadd.f32 v56, v55;
	v56 =	vmul.f32 v57, v45;
	v51 =	vmul.f32 v53, v51  }
0x9f: {  	v53 =	vld [tilespmem:s25+$0x4600]  }
0xa0: {  	v49 =	vmul.f32 v52, v49;
	v57 =	vld [tilespmem:s25+$0x4800];
	v55 =	vadd.f32 v56, v55;
	v51 =	vmul.f32 v51, v48  }
0xa1: {  	v52 =	vld [tilespmem:s25+$0xA00]  }
0xa2: {  	v49 =	vmul.f32 v49, v47;
	v54 =	vmul.f32 v58, v54;
	v56 =	vld [tilespmem:s25+$0x4A00];
	v51 =	vadd.f32 v51, v55  }
0xa3: {  	v55 =	vld [tilespmem:s25+$0xC00]  }
0xa4: {  	v54 =	vmul.f32 v54, v28;
	v53 =	vmul.f32 v53, v59;
	v58 =	vld [tilespmem:s25+$0x4C00];
	v49 =	vadd.f32 v49, v51  }
0xa5: {  	v50 =	vmul.f32 v57, v50;
	v51 =	vld [tilespmem:s25+$0xE00]  }
0xa6: {  	v54 =	vadd.f32 $0.0e+00, v54;
	v53 =	vmul.f32 v53, v20;
	v57 =	vld [tilespmem:s25+$0x4E00];
	v49 =	vadd.f32 v49, v16  }
0xa7: {  	v52 =	vmul.f32 v56, v52;
	v56 =	vld [tilespmem:s25+$0x1800]  }
0xa8: {  	v50 =	vmul.f32 v50, v17;
	v53 =	vadd.f32 v53, v54;
	v54 =	vld [tilespmem:s25+$0x1000];
	v49 =	vsub.f32 $0.0e+00, v49  }
0xa9: {  	v55 =	vmul.f32 v58, v55;
	v58 =	vld [tilespmem:s25+$0x5000]  }
0xaa: {  	v52 =	vmul.f32 v52, v18;
	v50 =	vadd.f32 v50, v53;
	v53 =	vld [tilespmem:s25+$0x1200];
	v49 =	vmul.f32 $1.442695020e+00, v49  }
0xab: {  	v51 =	vmul.f32 v57, v51;
	v57 =	vld [tilespmem:s25+$0x5200]  }
0xac: {  	v50 =	vadd.f32 v52, v50;
	v52 =	vmul.f32 v55, v19;
	v55 =	vld [tilespmem:s25+$0x1400];
	(erf) = vpow2.f32 v49  }
0xad: {  	v49 =	vld [tilespmem:s25+$0x5400]  }
0xae: {  	v51 =	vmul.f32 v51, v21;
	v50 =	vadd.f32 v52, v50;
	v52 =	vmul.f32 v58, v54;
	v54 =	vld [tilespmem:s25+$0x1600]  }
0xaf: {  	v58 =	vld [tilespmem:s25+$0x5600]  }
0xb0: {  	v50 =	vadd.f32 v51, v50;
	v51 =	vmul.f32 v52, v22;
	v52 =	vmul.f32 v57, v53;
	v53 =	vld [tilespmem:s25+$0x5800]  }
0xb1: {  	v57 =	vld [tilespmem:s25+$0x1A00]  }
0xb2: {  	v50 =	vadd.f32 v51, v50;
	v51 =	vmul.f32 v52, v23;
	v52 =	vmul.f32 v49, v55;
	v55 =	vld [tilespmem:s25+$0x5A00]  }
0xb3: {  	v49 =	vld [tilespmem:s25+$0x4200]  }
0xb4: {  	v50 =	vadd.f32 v51, v50;
	v51 =	vmul.f32 v52, v26;
	v52 =	vmul.f32 v58, v54;
	v54 =	vld [tilespmem:s25+$0x1C00]  }
0xb5: {  	v53 =	vmul.f32 v53, v56;
	v56 =	vld [tilespmem:s25+$0x5C00];
	v58 =	vpop (erf)  }
0xb6: {  	v50 =	vadd.f32 v51, v50;
	v51 =	vmul.f32 v52, v24;
	v52 =	vld [tilespmem:s25+$0x1E00];
	v58 =	vadd.f32 $1.000000000e+00, v58  }
0xb7: {  	v55 =	vmul.f32 v55, v57;
	v57 =	vld [tilespmem:s25+$0x5E00]  }
0xb8: {  	v50 =	vadd.f32 v51, v50;
	v51 =	vmul.f32 v53, v25;
	v53 =	vld [tilespmem:s25+$0x2000];
	(erf) = vrcp.f32 v58  }
0xb9: {  	v58 =	vld [tilespmem:s25+$0x6000]  }
0xba: {  	v50 =	vadd.f32 v51, v50;
	v51 =	vmul.f32 v55, v27;
	v54 =	vmul.f32 v56, v54;
	v55 =	vld [tilespmem:s25+$0x2200]  }
0xbb: {  	v56 =	vld [tilespmem:s25+$0x6200]  }
0xbc: {  	v50 =	vadd.f32 v51, v50;
	v51 =	vmul.f32 v54, v29;
	v52 =	vmul.f32 v57, v52;
	v54 =	vld [tilespmem:s25+$0x2400]  }
0xbd: {  	v57 =	vld [tilespmem:s25+$0x6400]  }
0xbe: {  	v50 =	vadd.f32 v51, v50;
	v51 =	vmul.f32 v52, v30;
	v52 =	vmul.f32 v58, v53;
	v53 =	vld [tilespmem:s25+$0x2600]  }
0xbf: {  	v58 =	vld [tilespmem:s25+$0x6600]  }
0xc0: {  	v50 =	vadd.f32 v51, v50;
	v51 =	vmul.f32 v52, v31;
	v52 =	vmul.f32 v56, v55;
	v55 =	vld [tilespmem:s25+$0x2800]  }
0xc1: {  	v56 =	vld [tilespmem:s25+$0x6800];
	v59 =	vpop (erf)  }
0xc2: {  	v50 =	vadd.f32 v51, v50;
	v51 =	vmul.f32 v52, v32;
	v52 =	vmul.f32 v57, v54;
	v54 =	vld [tilespmem:s25+$0x2A00];
	[tilespmem:s24+$0x8430] =	vst v59;
	s24 =	smov.u32 s25  }
0xc3: {  	v57 =	vld [tilespmem:s24+$0x6A00]  }
0xc4: {  	v50 =	vadd.f32 v51, v50;
	v51 =	vmul.f32 v52, v33;
	v52 =	vmul.f32 v58, v53;
	v53 =	vld [tilespmem:s24+$0x2C00]  }
0xc5: {  	v58 =	vld [tilespmem:s24+$0x6C00]  }
0xc6: {  	v50 =	vadd.f32 v51, v50;
	v51 =	vmul.f32 v52, v34;
	v52 =	vmul.f32 v56, v55;
	v55 =	vld [tilespmem:s24+$0x2E00]  }
0xc7: {  	v56 =	vld [tilespmem:s24+$0x6E00]  }
0xc8: {  	v50 =	vadd.f32 v51, v50;
	v51 =	vmul.f32 v52, v35;
	v52 =	vmul.f32 v57, v54;
	v54 =	vld [tilespmem:s24+$0x3000]  }
0xc9: {  	v57 =	vld [tilespmem:s24+$0x7000]  }
0xca: {  	v50 =	vadd.f32 v51, v50;
	v51 =	vmul.f32 v52, v36;
	v52 =	vmul.f32 v58, v53;
	v53 =	vld [tilespmem:s24+$0x3200]  }
0xcb: {  	v58 =	vld [tilespmem:s24+$0x7200]  }
0xcc: {  	v50 =	vadd.f32 v51, v50;
	v51 =	vmul.f32 v52, v37;
	v52 =	vmul.f32 v56, v55;
	v55 =	vld [tilespmem:s24+$0x3400]  }
0xcd: {  	v56 =	vld [tilespmem:s24+$0x7400]  }
0xce: {  	v50 =	vadd.f32 v51, v50;
	v51 =	vmul.f32 v52, v38;
	v52 =	vmul.f32 v57, v54;
	v54 =	vld [tilespmem:s24+$0x3600]  }
0xcf: {  	v57 =	vld [tilespmem:s24+$0x7600]  }
0xd0: {  	v50 =	vadd.f32 v51, v50;
	v51 =	vmul.f32 v52, v39;
	v52 =	vmul.f32 v58, v53;
	v53 =	vld [tilespmem:s24+$0x3800]  }
0xd1: {  	v58 =	vld [tilespmem:s24+$0x7800]  }
0xd2: {  	v50 =	vadd.f32 v51, v50;
	v51 =	vmul.f32 v52, v40;
	v52 =	vmul.f32 v56, v55;
	v55 =	vld [tilespmem:s24+$0x3A00]  }
0xd3: {  	v56 =	vld [tilespmem:s24+$0x7A00]  }
0xd4: {  	v50 =	vadd.f32 v51, v50;
	v51 =	vmul.f32 v52, v41;
	v52 =	vmul.f32 v57, v54;
	v54 =	vld [tilespmem:s24+$0x3C00]  }
0xd5: {  	v57 =	vld [tilespmem:s24+$0x7C00]  }
0xd6: {  	v50 =	vadd.f32 v51, v50;
	v51 =	vmul.f32 v52, v42;
	v52 =	vmul.f32 v58, v53;
	v58 =	vld [tilespmem:s24+$0x3E00]  }
0xd7: {  	v59 =	vld [tilespmem:s24+$0x7E00]  }
.Ltmp1:
0xd8: {  	v50 =	vadd.f32 v51, v50;
	v52 =	vmul.f32 v52, v43;
	v55 =	vmul.f32 v56, v55;
	v51 =	vld [tilespmem:s24+$0x4000];
	(pc) =	sbr.rel @p0 .LBB2_4-.Ltmp1, $4  }
0xd9: {  	v53 =	vld [tilespmem:s24+$0x8000]  }
0xda: {  	s25 =	sshra.s32 s26, $0x2;
	v56 =	vadd.f32 v52, v50;
	v55 =	vmul.f32 v55, v44;
	v57 =	vmul.f32 v57, v54;
	v52 =	vld [tilespmem:s24+$0x8200]  }
0xdb: {  	v50 =	vld [tilespmem:s25+$0x800]  }
0xdc: {  	s26 =	sadd.s32 $0x40, s26;
	v54 =	vld [tilespmem:s25+$0x400];
	v55 =	vadd.f32 v55, v56;
	v56 =	vmul.f32 v57, v46;
	v57 =	vmul.f32 v59, v58  }
0xdd: {  	v58 =	vld [tilespmem:s25+$0x4400]  }
0xde: {  	v59 =	vld [tilespmem:s25+$0x600];
	v55 =	vadd.f32 v56, v55;
	v63 =	vmul.f32 v57, v45;
	v51 =	vmul.f32 v53, v51  }
0xdf: {  	v53 =	vld [tilespmem:s25+$0x4600]  }
0xe0: {  	v60 =	vld [tilespmem:s25+$0x4800];
	v49 =	vmul.f32 v52, v49;
	v55 =	vadd.f32 v63, v55;
	v51 =	vmul.f32 v51, v48  }
0xe1: {  	v61 =	vld [tilespmem:s25+$0xA00]  }
0xe2: {  	v62 =	vld [tilespmem:s25+$0x4A00];
	v49 =	vmul.f32 v49, v47;
	v54 =	vmul.f32 v58, v54;
	v51 =	vadd.f32 v51, v55  }
0xe3: {  	v63 =	vld [tilespmem:s25+$0x4C00]  }
0xe4: {  	v55 =	vld [tilespmem:s25+$0xC00];
	v53 =	vmul.f32 v53, v59;
	v28 =	vmul.f32 v54, v28;
	v49 =	vadd.f32 v49, v51  }
0xe5: {  	v50 =	vmul.f32 v60, v50;
	v60 =	vld [tilespmem:s25+$0x4E00]  }
0xe6: {  	v51 =	vld [tilespmem:s25+$0xE00];
	v20 =	vmul.f32 v53, v20;
	v28 =	vadd.f32 $0.0e+00, v28;
	v49 =	vadd.f32 v49, v16  }
0xe7: {  	v56 =	vld [tilespmem:s25+$0x1000];
	v52 =	vmul.f32 v62, v61  }
0xe8: {  	v62 =	vld [tilespmem:s25+$0x5000];
	v17 =	vmul.f32 v50, v17;
	v20 =	vadd.f32 v20, v28;
	v61 =	vsub.f32 $0.0e+00, v49  }
0xe9: {  	v58 =	vld [tilespmem:s25+$0x5200];
	v18 =	vmul.f32 v52, v18  }
0xea: {  	v52 =	vld [tilespmem:s25+$0x1400];
	v63 =	vmul.f32 v63, v55;
	v17 =	vadd.f32 v17, v20;
	v57 =	vmul.f32 $1.442695020e+00, v61  }
0xeb: {  	v55 =	vld [tilespmem:s25+$0x1200];
	v51 =	vmul.f32 v60, v51  }
0xec: {  	v53 =	vld [tilespmem:s25+$0x1800];
	v59 =	vmul.f32 v63, v19;
	v17 =	vadd.f32 v18, v17;
	(erf) = vpow2.f32 v57  }
0xed: {  	v19 =	vld [tilespmem:s25+$0x5400]  }
0xee: {  	v20 =	vld [tilespmem:s25+$0x1600];
	v61 =	vmul.f32 v62, v56;
	v60 =	vmul.f32 v51, v21;
	v17 =	vadd.f32 v59, v17  }
0xef: {  	v62 =	vld [tilespmem:s25+$0x5600]  }
0xf0: {  	v63 =	vld [tilespmem:s25+$0x5800];
	v54 =	vmul.f32 v61, v22;
	v56 =	vmul.f32 v58, v55;
	v17 =	vadd.f32 v60, v17  }
0xf1: {  	v57 =	vld [tilespmem:s25+$0x1A00]  }
0xf2: {  	v58 =	vld [tilespmem:s25+$0x5A00];
	v59 =	vmul.f32 v56, v23;
	v19 =	vmul.f32 v19, v52;
	v17 =	vadd.f32 v54, v17  }
0xf3: {  	v50 =	vld [tilespmem:s25+$0x6400]  }
0xf4: {  	v23 =	vld [tilespmem:s25+$0x1C00];
	v61 =	vmul.f32 v62, v20;
	v60 =	vmul.f32 v19, v26;
	v17 =	vadd.f32 v59, v17  }
0xf5: {  	v63 =	vmul.f32 v63, v53;
	v62 =	vld [tilespmem:s25+$0x5C00];
	v52 =	vpop (erf)  }
0xf6: {  	v53 =	vld [tilespmem:s25+$0x1E00];
	v54 =	vmul.f32 v61, v24;
	v17 =	vadd.f32 v60, v17;
	v55 =	vadd.f32 $1.000000000e+00, v52  }
0xf7: {  	v56 =	vld [tilespmem:s25+$0x5E00];
	v22 =	vmul.f32 v58, v57  }
0xf8: {  	v57 =	vld [tilespmem:s25+$0x2000];
	v58 =	vmul.f32 v63, v25;
	v17 =	vadd.f32 v54, v17;
	(erf) = vrcp.f32 v55  }
0xf9: {  	v59 =	vld [tilespmem:s25+$0x6000]  }
0xfa: {  	v61 =	vmul.f32 v22, v27;
	v20 =	vmul.f32 v62, v23;
	v62 =	vld [tilespmem:s25+$0x6200];
	v17 =	vadd.f32 v58, v17  }
0xfb: {  	v60 =	vld [tilespmem:s25+$0x2200]  }
0xfc: {  	v21 =	vld [tilespmem:s25+$0x4200];
	v49 =	vmul.f32 v56, v53;
	v29 =	vmul.f32 v20, v29;
	v17 =	vadd.f32 v61, v17  }
0xfd: {  	v63 =	vld [tilespmem:s25+$0x2400]  }
0xfe: {  	v51 =	vld [tilespmem:s25+$0x2600];
	v52 =	vmul.f32 v49, v30;
	v19 =	vmul.f32 v59, v57;
	v17 =	vadd.f32 v29, v17  }
0xff: {  	v53 =	vld [tilespmem:s25+$0x6600]  }
0x100: {  	v54 =	vld [tilespmem:s25+$0x2800];
	v55 =	vmul.f32 v19, v31;
	v56 =	vmul.f32 v62, v60;
	v17 =	vadd.f32 v52, v17  }
0x101: {  	v57 =	vld [tilespmem:s25+$0x6800];
	v58 =	vpop (erf)  }
0x102: {  	v59 =	vld [tilespmem:s25+$0x2A00];
	v61 =	vmul.f32 v50, v63;
	v60 =	vmul.f32 v56, v32;
	v17 =	vadd.f32 v55, v17;
	[tilespmem:s24+$0x8430] =	vst v58  }
0x103: {  	v62 =	vld [tilespmem:s25+$0x6A00]  }
0x104: {  	v63 =	vmul.f32 v61, v33;
	v29 =	vmul.f32 v53, v51;
	v30 =	vld [tilespmem:s25+$0x2C00];
	v17 =	vadd.f32 v60, v17  }
0x105: {  	v31 =	vld [tilespmem:s25+$0x6C00]  }
0x106: {  	v33 =	vmul.f32 v57, v54;
	v32 =	vmul.f32 v29, v34;
	v34 =	vld [tilespmem:s25+$0x2E00];
	v17 =	vadd.f32 v63, v17  }
0x107: {  	v25 =	vld [tilespmem:s25+$0x6E00]  }
0x108: {  	v35 =	vmul.f32 v33, v35;
	v50 =	vld [tilespmem:s25+$0x3000];
	v17 =	vadd.f32 v32, v17;
	v49 =	vmul.f32 v62, v59  }
0x109: {  	v51 =	vld [tilespmem:s25+$0x7000]  }
0x10a: {  	v54 =	vld [tilespmem:s25+$0x3200];
	v53 =	vmul.f32 v31, v30;
	v17 =	vadd.f32 v35, v17;
	v52 =	vmul.f32 v49, v36  }
0x10b: {  	v55 =	vld [tilespmem:s25+$0x7200]  }
0x10c: {  	v58 =	vld [tilespmem:s25+$0x3400];
	v57 =	vmul.f32 v25, v34;
	v56 =	vmul.f32 v53, v37;
	v17 =	vadd.f32 v52, v17  }
0x10d: {  	v59 =	vld [tilespmem:s25+$0x7400]  }
0x10e: {  	v63 =	vld [tilespmem:s25+$0x7600];
	v61 =	vmul.f32 v51, v50;
	v60 =	vmul.f32 v57, v38;
	v17 =	vadd.f32 v56, v17  }
0x10f: {  	v62 =	vld [tilespmem:s25+$0x3600]  }
0x110: {  	v29 =	vmul.f32 v55, v54;
	v30 =	vld [tilespmem:s25+$0x3800];
	v28 =	vmul.f32 v61, v39;
	v17 =	vadd.f32 v60, v17  }
0x111: {  	v31 =	vld [tilespmem:s25+$0x7800]  }
0x112: {  	v34 =	vld [tilespmem:s25+$0x3A00];
	v32 =	vmul.f32 v29, v40;
	v33 =	vmul.f32 v59, v58;
	v17 =	vadd.f32 v28, v17  }
0x113: {  	v35 =	vld [tilespmem:s25+$0x7A00]  }
0x114: {  	v38 =	vld [tilespmem:s25+$0x3C00];
	v37 =	vmul.f32 v63, v62;
	v36 =	vmul.f32 v33, v41;
	v17 =	vadd.f32 v32, v17  }
0x115: {  	v39 =	vld [tilespmem:s25+$0x7C00]  }
0x116: {  	v49 =	vld [tilespmem:s25+$0x7E00];
	v40 =	vmul.f32 v37, v42;
	v41 =	vmul.f32 v31, v30;
	v17 =	vadd.f32 v36, v17  }
0x117: {  	v42 =	vld [tilespmem:s25+$0x3E00]  }
0x118: {  	v53 =	vld [tilespmem:s25+$0x8000];
	v51 =	vmul.f32 v35, v34;
	v50 =	vmul.f32 v41, v43;
	v17 =	vadd.f32 v40, v17  }
0x119: {  	v52 =	vld [tilespmem:s25+$0x4000]  }
0x11a: {  	v55 =	vmul.f32 v39, v38;
	v54 =	vmul.f32 v51, v44;
	v17 =	vadd.f32 v50, v17  }
0x11b: {  	v56 =	vld [tilespmem:s25+$0x8200]  }
0x11c: {  	v57 =	vmul.f32 v55, v46;
	v58 =	vmul.f32 v49, v42;
	v17 =	vadd.f32 v54, v17;
	_ =	sdelay $0x1  }
0x11d: {  	v60 =	vmul.f32 v53, v52;
	v59 =	vmul.f32 v58, v45;
	v17 =	vadd.f32 v57, v17;
	_ =	sdelay $0x1  }
0x11e: {  	v61 =	vmul.f32 v60, v48;
	v62 =	vmul.f32 v56, v21;
	v17 =	vadd.f32 v59, v17;
	_ =	sdelay $0x1  }
0x11f: {  	v63 =	vmul.f32 v62, v47;
	v17 =	vadd.f32 v61, v17;
	_ =	sdelay $0x1  }
0x120: {  	v17 =	vadd.f32 v63, v17;
	_ =	sdelay $0x1  }
0x121: {  	v16 =	vadd.f32 v17, v16;
	_ =	sdelay $0x1  }
0x122: {  	v16 =	vsub.f32 $0.0e+00, v16;
	_ =	sdelay $0x1  }
0x123: {  	v16 =	vmul.f32 $1.442695020e+00, v16;
	_ =	sdelay $0x1  }
0x124: {  	(erf) = vpow2.f32 v16;
	_ =	sdelay $0x8  }
0x125: {  	v16 =	vpop (erf)  }
0x126: {  	v16 =	vadd.f32 $1.000000000e+00, v16;
	_ =	sdelay $0x1  }
0x127: {  	(erf) = vrcp.f32 v16;
	_ =	sdelay $0x7  }
0x128: {  	s23 =	sadd.s32 $0x1, s23  }
0x129: {  	p0 =	sne.s32 s23, s10;
	v16 =	vpop (erf)  }
.Ltmp2:
0x12a: {  	[tilespmem:s25+$0x8430] =	vst v16;
	(pc) =	sbr.rel @p0 .LBB2_1-.Ltmp2, $4  }
0x12b: {  	[hbm4b:s9+s3] =	stream.linear.scatter [tilespmem:s22], [sflag:$0x2], $0x200, $0x38;
	[tilespmem:$0x8630] =	vst v63  }
0x12c: {  	_ =	swait.ge [sflag:s13], $0x200  }
0x12d: {  	[sflag:s13] =	ssyncset.done $0x0  }
0x12e: {  	[sflag:s13] =	ssyncadd.s32 $0xFFFFFE00  }
0x12f: {  	_ =	sfence.sel $0x180000  }
0x130: {  	[bflag:$0x0] =	sbarrier.arrive $0xFFFF  }
0x131: {  	_ =	strace $0x90000047  }
0x132: {  	[bflag:$0x2] =	sbarrier.arrive $0xFFFF  }
0x133: {  	p0 =	sne.s32 s4, $0x0;
	s0 =	rddreg [dreg:$0x5]  }
0x134: {  	s0 =	sadd.s32 @!p0 $0x100000, s0  }
0x135: {  	[sflag:s0] =	ssyncadd.tile.s32 @!p0 $0x1;
	_ =	shalt  }
.Lfunc_end2:
_tile_overlayer_lowered:
.L_overlay_start_2:
0x136: {  	(tag) =	ssettag $0x2  }
0x137: {  	s0 =	rddreg [dreg:$0x0];
	s2 =	stileid.u32  }
0x138: {  	s1 =	rddreg [dreg:$0x1];
	p0 =	sne.s32 s2, $0x0  }
0x139: {  	s3 =	rddreg [dreg:$0x2];
	[bflag:$0x3] =	sbarrier.arrive $0xFFFF;
	s2 =	simm.s32 @!p0 $0x1C02  }
0x13a: {  	[timem:s3], [sflag:s2] =	dma.local @!p0 [hbm:s0], s1  }
0x13b: {  	s0 =	simm.s32 @!p0 $0x2  }
0x13c: {  	_ =	swait.ge @!p0 [sflag:s0], s1  }
0x13d: {  	s1 =	ssub.s32 @!p0 $0x0, s1;
	[sflag:s0] =	ssyncset.done @!p0 $0x0  }
0x13e: {  	[sflag:s0] =	ssyncadd.s32 @!p0 s1  }
0x13f: {  	[bflag:$0x3] =	sbarrier.arrive $0xFFFF  }
0x140: {  	_ =	shalt  }

</sc_bundles>
